<compile_context>
chip_gen: v7x
topology: tpu7x:2x2x1
jax: 0.10.2.dev20260603
libtpu: 0.0.44.dev20260713+nightly
codegen_flags: <defaults>
</compile_context>

<pallas_src>
import functools

import jax
import jax.numpy as jnp
from jax import lax
from jax.experimental import pallas as pl
from jax.experimental.pallas import tpu as pltpu
from jax.experimental.pallas import tpu_sc as plsc

_B, _H, _W, _P = 16, 512, 512, 20000
_NW = 32
_NPT = (_B * _P) // _NW
_CHUNK = 16
_NCH = 625
_APAD = _NCH * _CHUNK
_NPAD = (_APAD - _NPT) // 16
_NVEC = _NPT // 16
_LN2 = 0.6931471805599453


def _softplus_ln(y):
    bits = lax.bitcast_convert_type(y, jnp.int32)
    k = (bits >> 23) - 127
    m = lax.bitcast_convert_type((bits & 0x007FFFFF) | 0x3F800000, jnp.float32)
    t = (m - 1.0) / (m + 1.0)
    s = t * t
    ln_m = 2.0 * t * (1.0 + s * (1.0 / 3.0 + s * (1.0 / 5.0 + s * (1.0 / 7.0))))
    return k.astype(jnp.float32) * _LN2 + ln_m


def _sc_body(img, xa, ya, xb, yb, tt, parts,
             xa_v, ya_v, xb_v, yb_v, t_v, z_v, out_v, sem, sem_t):
    wid = lax.axis_index("s") * 2 + lax.axis_index("c")
    base = wid * _NPT
    boff = (wid // 2) * (_H * _W)

    stages = [
        pltpu.make_async_copy(src.at[pl.ds(base, _NPT)],
                              dst.at[pl.ds(0, _NPT)], sem)
        for src, dst in ((xa, xa_v), (ya, ya_v), (xb, xb_v), (yb, yb_v))
    ]
    for h in stages:
        h.start()
    for h in stages:
        h.wait()

    zeros = jnp.zeros((16,), jnp.int32)
    for j in range(_NPAD):
        for ref in (xa_v, ya_v, xb_v, yb_v):
            ref[pl.ds(_NPT + j * 16, 16)] = zeros

    def build_fire(j, _):
        off = pl.multiple_of(j * _CHUNK, _CHUNK)
        for s in range(_CHUNK // 16):
            o = off + s * 16
            xav = xa_v[pl.ds(o, 16)]
            yav = ya_v[pl.ds(o, 16)]
            xbv = xb_v[pl.ds(o, 16)]
            ybv = yb_v[pl.ds(o, 16)]
            iva = ((xav << 9) - (xav & 7) * 384
                   + (yav << 3) - (yav & 127) * 7 + boff)
            ivb = ((xbv << 9) - (xbv & 7) * 384
                   + (ybv << 3) - (ybv & 127) * 7 + boff)
            pltpu.make_async_copy(
                img.at[iva], z_v.at[pl.ds(o, 16)], sem).start()
            pltpu.make_async_copy(
                img.at[ivb], z_v.at[pl.ds(_APAD + o, 16)], sem).start()
        return 0

    lax.fori_loop(0, _NCH, build_fire, 0, unroll=2)

    t_stage = pltpu.make_async_copy(tt.at[pl.ds(base, _NPT)],
                                    t_v.at[pl.ds(0, _NPT)], sem_t)
    t_stage.start()

    pltpu.make_async_copy(img.at[pl.ds(0, _APAD)],
                          z_v.at[pl.ds(0, _APAD)], sem).wait()
    pltpu.make_async_copy(img.at[pl.ds(0, _APAD)],
                          z_v.at[pl.ds(_APAD, _APAD)], sem).wait()
    t_stage.wait()

    def loss(i, acc):
        acc_log, acc_sq, acc_cnt = acc
        off = pl.multiple_of(i * 16, 16)
        za = z_v[pl.ds(off, 16)]
        zb = z_v[pl.ds(_APAD + off, 16)]
        tf = t_v[pl.ds(off, 16)].astype(jnp.float32)
        pred = za - zb
        e = jnp.exp(-tf * pred)
        ln_y = _softplus_ln(1.0 + e)
        nzf = tf * tf
        p2 = pred * pred
        acc_log = acc_log + nzf * ln_y
        acc_sq = acc_sq + (p2 - nzf * p2)
        acc_cnt = acc_cnt + nzf
        return acc_log, acc_sq, acc_cnt

    z16 = jnp.zeros((16,), jnp.float32)
    acc_log, acc_sq, acc_cnt = lax.fori_loop(0, _NVEC, loss, (z16, z16, z16),
                                             unroll=8)

    out_v[pl.ds(0, 16)] = acc_log
    out_v[pl.ds(16, 16)] = acc_sq
    out_v[pl.ds(32, 16)] = acc_cnt
    pltpu.sync_copy(out_v, parts.at[wid])


@jax.jit
def kernel(output, x_A, y_A, x_B, y_B, ordinal_relation):
    img = (output.reshape(_B, _H // 8, 8, _W // 128, 128)
           .transpose(0, 1, 3, 2, 4).reshape(-1))
    mesh = plsc.VectorSubcoreMesh(core_axis_name="c", subcore_axis_name="s")
    run = functools.partial(
        pl.kernel,
        mesh=mesh,
        out_type=jax.ShapeDtypeStruct((_NW, 48), jnp.float32),
        scratch_types=[
            pltpu.VMEM((_APAD,), jnp.int32),
            pltpu.VMEM((_APAD,), jnp.int32),
            pltpu.VMEM((_APAD,), jnp.int32),
            pltpu.VMEM((_APAD,), jnp.int32),
            pltpu.VMEM((_APAD,), jnp.int32),
            pltpu.VMEM((2 * _APAD,), jnp.float32),
            pltpu.VMEM((48,), jnp.float32),
            pltpu.SemaphoreType.DMA,
            pltpu.SemaphoreType.DMA,
        ],
    )(_sc_body)
    parts = run(
        img,
        x_A.reshape(-1).astype(jnp.int32),
        y_A.reshape(-1).astype(jnp.int32),
        x_B.reshape(-1).astype(jnp.int32),
        y_B.reshape(-1).astype(jnp.int32),
        ordinal_relation.reshape(-1).astype(jnp.int32),
    )
    p = parts.reshape(_NW, 3, 16).sum(axis=2).reshape(_B, 2, 3).sum(axis=1)
    cnt_nz = p[:, 2]
    log_loss = p[:, 0] / jnp.maximum(cnt_nz, 1.0)
    sq_loss = p[:, 1] / jnp.maximum(_P - cnt_nz, 1.0)
    return jnp.sum(log_loss + sq_loss) / _B

# --- scband reference (transcript-rebuilt; emitter-appended) ---
"""Pipeline reference for scband-relative-depth-loss-16123307229889 (READ-ONLY COPY).

The authoritative reference and input builder live on the scoring server;
editing this copy changes nothing except your own understanding.
"""

import jax, jax.numpy as jnp
import numpy as np

B, H, W, P = 16, 512, 512, 20000

def setup_inputs(seed: int = 0) -> dict:
    key = jax.random.key(seed)
    ks = jax.random.split(key, 6)
    output = jax.random.normal(ks[0], (B, 1, H, W), dtype=jnp.float32)
    x_A = jax.random.randint(ks[1], (B, P), 0, H)
    y_A = jax.random.randint(ks[2], (B, P), 0, W)
    x_B = jax.random.randint(ks[3], (B, P), 0, H)
    y_B = jax.random.randint(ks[4], (B, P), 0, W)
    ordinal_relation = jax.random.randint(ks[5], (B, P), 0, 3) - 1  # values in {-1,0,1}
    return {"output": output, "x_A": x_A, "y_A": y_A, "x_B": x_B, "y_B": y_B, "ordinal_relation": ordinal_relation}

def reference(output, x_A, y_A, x_B, y_B, ordinal_relation):
    b = output.shape[0]
    bidx = jnp.arange(b)[:, None]
    # gather predicted depths at pixel pairs (SparseCore-style gather)
    z_A = output[bidx, 0, x_A, y_A]
    z_B = output[bidx, 0, x_B, y_B]
    pred_depth = z_A - z_B
    t = ordinal_relation.astype(output.dtype)
    nz = t != 0
    cnt_nz = jnp.sum(nz, axis=1)
    cnt_z = jnp.sum(jnp.logical_not(nz), axis=1)
    log_loss = jnp.sum(jnp.where(nz, jnp.log(1.0 + jnp.exp(-t * pred_depth)), 0.0), axis=1) / jnp.maximum(cnt_nz, 1).astype(output.dtype)
    squared_loss = jnp.sum(jnp.where(jnp.logical_not(nz), pred_depth ** 2, 0.0), axis=1) / jnp.maximum(cnt_z, 1).astype(output.dtype)
    per_sample = log_loss + squared_loss
    return jnp.sum(per_sample) / b

if __name__ == "__main__":
    import jax
    _d = setup_inputs()
    print(jax.jit(kernel)(*tuple(_d.values())))

</pallas_src>

<mosaic_0001>
#map = affine_map<(d0, d1) -> (0)>
#map1 = affine_map<(d0, d1) -> (0, 0)>
module attributes {stable_mosaic.version = 14 : i64} {
  func.func @_sc_body(%arg0: i32, %arg1: i32, %arg2: memref<4194304xf32, #tpu.memory_space<hbm>>, %arg3: memref<320000xi32, #tpu.memory_space<hbm>>, %arg4: memref<320000xi32, #tpu.memory_space<hbm>>, %arg5: memref<320000xi32, #tpu.memory_space<hbm>>, %arg6: memref<320000xi32, #tpu.memory_space<hbm>>, %arg7: memref<320000xi32, #tpu.memory_space<hbm>>, %arg8: memref<32x48xf32, #tpu.memory_space<hbm>>, %arg9: memref<10000xi32, #tpu.memory_space<vmem>>, %arg10: memref<10000xi32, #tpu.memory_space<vmem>>, %arg11: memref<10000xi32, #tpu.memory_space<vmem>>, %arg12: memref<10000xi32, #tpu.memory_space<vmem>>, %arg13: memref<10000xi32, #tpu.memory_space<vmem>>, %arg14: memref<20000xf32, #tpu.memory_space<vmem>>, %arg15: memref<48xf32, #tpu.memory_space<vmem>>, %arg16: memref<!tpu.dma_semaphore, #tpu.memory_space<semaphore_mem>>, %arg17: memref<!tpu.dma_semaphore, #tpu.memory_space<semaphore_mem>>) attributes {dimension_semantics = [#tpu.dimension_semantics<core_parallel>, #tpu.dimension_semantics<subcore_parallel>], iteration_bounds = array<i64: 2, 16>, scalar_prefetch = 0 : i64, scratch_operands = 9 : i64, tpu.core_type = #tpu.core_type<sc_vector_subcore>, window_params = [{transform_indices = #map}, {transform_indices = #map}, {transform_indices = #map}, {transform_indices = #map}, {transform_indices = #map}, {transform_indices = #map}, {transform_indices = #map1}]} {
    %mul3A = arith.constant 2 : i32
    %mul3A_0 = arith.muli %arg1, %mul3A : i32
    %add3A = arith.addi %mul3A_0, %arg0 : i32
    %mul3A_1 = arith.constant 10000 : i32
    %mul3A_2 = arith.muli %add3A, %mul3A_1 : i32
    %jit3A = arith.constant 2 : i32
    %div3A = arith.divsi %add3A, %jit3A : i32
    %sign3A = arith.constant 0 : i32
    %sign3A_3 = arith.cmpi sgt, %add3A, %sign3A : i32
    %sign3A_4 = arith.extui %sign3A_3 : i1 to i32
    %sign3A_5 = arith.constant 0 : i32
    %sign3A_6 = arith.cmpi slt, %add3A, %sign3A_5 : i32
    %sign3A_7 = arith.extui %sign3A_6 : i1 to i32
    %sign3A_8 = arith.subi %sign3A_4, %sign3A_7 : i32
    %sign3A_9 = arith.constant 0 : i32
    %sign3A_10 = arith.cmpi sgt, %jit3A, %sign3A_9 : i32
    %sign3A_11 = arith.extui %sign3A_10 : i1 to i32
    %sign3A_12 = arith.constant 0 : i32
    %sign3A_13 = arith.cmpi slt, %jit3A, %sign3A_12 : i32
    %sign3A_14 = arith.extui %sign3A_13 : i1 to i32
    %sign3A_15 = arith.subi %sign3A_11, %sign3A_14 : i32
    %ne3A = arith.cmpi ne, %sign3A_8, %sign3A_15 : i32
    %rem3A = arith.remsi %add3A, %jit3A : i32
    %ne3A_16 = arith.constant 0 : i32
    %ne3A_17 = arith.cmpi ne, %rem3A, %ne3A_16 : i32
    %and3A = arith.andi %ne3A, %ne3A_17 : i1
    %sub3A = arith.constant 1 : i32
    %sub3A_18 = arith.subi %div3A, %sub3A : i32
    %select_n3A = arith.select %and3A, %sub3A_18, %div3A : i32
    %mul3A_19 = arith.constant 262144 : i32
    %mul3A_20 = arith.muli %select_n3A, %mul3A_19 : i32
    %dma_start3A = arith.constant 0 : i32
    %dma_start3A_21 = tpu.memref_slice %arg9[%dma_start3A] : memref<10000xi32, #tpu.memory_space<vmem>> -> memref<10000xi32, #tpu.memory_space<vmem>>
    %dma_start3A_22 = tpu.memref_slice %arg3[%mul3A_2] : memref<320000xi32, #tpu.memory_space<hbm>> -> memref<10000xi32, #tpu.memory_space<hbm>>
    %dma_start3A_23 = arith.constant 0 : i32
    %dma_start3A_24 = tpu.memref_slice %arg9[%dma_start3A_23] : memref<10000xi32, #tpu.memory_space<vmem>> -> memref<10000xi32, #tpu.memory_space<vmem>>
    %dma_start3A_25 = tpu.memref_slice %arg3[%mul3A_2] : memref<320000xi32, #tpu.memory_space<hbm>> -> memref<10000xi32, #tpu.memory_space<hbm>>
    tpu.enqueue_dma source(%dma_start3A_25 : memref<10000xi32, #tpu.memory_space<hbm>>) target(%dma_start3A_24 : memref<10000xi32, #tpu.memory_space<vmem>>) target_semaphore(%arg16 : memref<!tpu.dma_semaphore, #tpu.memory_space<semaphore_mem>>)
    %dma_start3A_26 = arith.constant 0 : i32
    %dma_start3A_27 = tpu.memref_slice %arg10[%dma_start3A_26] : memref<10000xi32, #tpu.memory_space<vmem>> -> memref<10000xi32, #tpu.memory_space<vmem>>
    %dma_start3A_28 = tpu.memref_slice %arg4[%mul3A_2] : memref<320000xi32, #tpu.memory_space<hbm>> -> memref<10000xi32, #tpu.memory_space<hbm>>
    %dma_start3A_29 = arith.constant 0 : i32
    %dma_start3A_30 = tpu.memref_slice %arg10[%dma_start3A_29] : memref<10000xi32, #tpu.memory_space<vmem>> -> memref<10000xi32, #tpu.memory_space<vmem>>
    %dma_start3A_31 = tpu.memref_slice %arg4[%mul3A_2] : memref<320000xi32, #tpu.memory_space<hbm>> -> memref<10000xi32, #tpu.memory_space<hbm>>
    tpu.enqueue_dma source(%dma_start3A_31 : memref<10000xi32, #tpu.memory_space<hbm>>) target(%dma_start3A_30 : memref<10000xi32, #tpu.memory_space<vmem>>) target_semaphore(%arg16 : memref<!tpu.dma_semaphore, #tpu.memory_space<semaphore_mem>>)
    %dma_start3A_32 = arith.constant 0 : i32
    %dma_start3A_33 = tpu.memref_slice %arg11[%dma_start3A_32] : memref<10000xi32, #tpu.memory_space<vmem>> -> memref<10000xi32, #tpu.memory_space<vmem>>
    %dma_start3A_34 = tpu.memref_slice %arg5[%mul3A_2] : memref<320000xi32, #tpu.memory_space<hbm>> -> memref<10000xi32, #tpu.memory_space<hbm>>
    %dma_start3A_35 = arith.constant 0 : i32
    %dma_start3A_36 = tpu.memref_slice %arg11[%dma_start3A_35] : memref<10000xi32, #tpu.memory_space<vmem>> -> memref<10000xi32, #tpu.memory_space<vmem>>
    %dma_start3A_37 = tpu.memref_slice %arg5[%mul3A_2] : memref<320000xi32, #tpu.memory_space<hbm>> -> memref<10000xi32, #tpu.memory_space<hbm>>
    tpu.enqueue_dma source(%dma_start3A_37 : memref<10000xi32, #tpu.memory_space<hbm>>) target(%dma_start3A_36 : memref<10000xi32, #tpu.memory_space<vmem>>) target_semaphore(%arg16 : memref<!tpu.dma_semaphore, #tpu.memory_space<semaphore_mem>>)
    %dma_start3A_38 = arith.constant 0 : i32
    %dma_start3A_39 = tpu.memref_slice %arg12[%dma_start3A_38] : memref<10000xi32, #tpu.memory_space<vmem>> -> memref<10000xi32, #tpu.memory_space<vmem>>
    %dma_start3A_40 = tpu.memref_slice %arg6[%mul3A_2] : memref<320000xi32, #tpu.memory_space<hbm>> -> memref<10000xi32, #tpu.memory_space<hbm>>
    %dma_start3A_41 = arith.constant 0 : i32
    %dma_start3A_42 = tpu.memref_slice %arg12[%dma_start3A_41] : memref<10000xi32, #tpu.memory_space<vmem>> -> memref<10000xi32, #tpu.memory_space<vmem>>
    %dma_start3A_43 = tpu.memref_slice %arg6[%mul3A_2] : memref<320000xi32, #tpu.memory_space<hbm>> -> memref<10000xi32, #tpu.memory_space<hbm>>
    tpu.enqueue_dma source(%dma_start3A_43 : memref<10000xi32, #tpu.memory_space<hbm>>) target(%dma_start3A_42 : memref<10000xi32, #tpu.memory_space<vmem>>) target_semaphore(%arg16 : memref<!tpu.dma_semaphore, #tpu.memory_space<semaphore_mem>>)
    %dma_wait3A = arith.constant 0 : i32
    %dma_wait3A_44 = tpu.memref_slice %arg9[%dma_wait3A] : memref<10000xi32, #tpu.memory_space<vmem>> -> memref<10000xi32, #tpu.memory_space<vmem>>
    %dma_wait3A_45 = tpu.memref_slice %arg3[%mul3A_2] : memref<320000xi32, #tpu.memory_space<hbm>> -> memref<10000xi32, #tpu.memory_space<hbm>>
    %dma_wait3A_46 = arith.constant 0 : i32
    %dma_wait3A_47 = tpu.memref_slice %arg9[%dma_wait3A_46] : memref<10000xi32, #tpu.memory_space<vmem>> -> memref<10000xi32, #tpu.memory_space<vmem>>
    %dma_wait3A_48 = tpu.memref_slice %arg3[%mul3A_2] : memref<320000xi32, #tpu.memory_space<hbm>> -> memref<10000xi32, #tpu.memory_space<hbm>>
    tpu.wait_dma2 semaphore(%arg16 : memref<!tpu.dma_semaphore, #tpu.memory_space<semaphore_mem>>) src(%dma_wait3A_48 : memref<10000xi32, #tpu.memory_space<hbm>>) dst(%dma_wait3A_47 : memref<10000xi32, #tpu.memory_space<vmem>>)
    %dma_wait3A_49 = arith.constant 0 : i32
    %dma_wait3A_50 = tpu.memref_slice %arg10[%dma_wait3A_49] : memref<10000xi32, #tpu.memory_space<vmem>> -> memref<10000xi32, #tpu.memory_space<vmem>>
    %dma_wait3A_51 = tpu.memref_slice %arg4[%mul3A_2] : memref<320000xi32, #tpu.memory_space<hbm>> -> memref<10000xi32, #tpu.memory_space<hbm>>
    %dma_wait3A_52 = arith.constant 0 : i32
    %dma_wait3A_53 = tpu.memref_slice %arg10[%dma_wait3A_52] : memref<10000xi32, #tpu.memory_space<vmem>> -> memref<10000xi32, #tpu.memory_space<vmem>>
    %dma_wait3A_54 = tpu.memref_slice %arg4[%mul3A_2] : memref<320000xi32, #tpu.memory_space<hbm>> -> memref<10000xi32, #tpu.memory_space<hbm>>
    tpu.wait_dma2 semaphore(%arg16 : memref<!tpu.dma_semaphore, #tpu.memory_space<semaphore_mem>>) src(%dma_wait3A_54 : memref<10000xi32, #tpu.memory_space<hbm>>) dst(%dma_wait3A_53 : memref<10000xi32, #tpu.memory_space<vmem>>)
    %dma_wait3A_55 = arith.constant 0 : i32
    %dma_wait3A_56 = tpu.memref_slice %arg11[%dma_wait3A_55] : memref<10000xi32, #tpu.memory_space<vmem>> -> memref<10000xi32, #tpu.memory_space<vmem>>
    %dma_wait3A_57 = tpu.memref_slice %arg5[%mul3A_2] : memref<320000xi32, #tpu.memory_space<hbm>> -> memref<10000xi32, #tpu.memory_space<hbm>>
    %dma_wait3A_58 = arith.constant 0 : i32
    %dma_wait3A_59 = tpu.memref_slice %arg11[%dma_wait3A_58] : memref<10000xi32, #tpu.memory_space<vmem>> -> memref<10000xi32, #tpu.memory_space<vmem>>
    %dma_wait3A_60 = tpu.memref_slice %arg5[%mul3A_2] : memref<320000xi32, #tpu.memory_space<hbm>> -> memref<10000xi32, #tpu.memory_space<hbm>>
    tpu.wait_dma2 semaphore(%arg16 : memref<!tpu.dma_semaphore, #tpu.memory_space<semaphore_mem>>) src(%dma_wait3A_60 : memref<10000xi32, #tpu.memory_space<hbm>>) dst(%dma_wait3A_59 : memref<10000xi32, #tpu.memory_space<vmem>>)
    %dma_wait3A_61 = arith.constant 0 : i32
    %dma_wait3A_62 = tpu.memref_slice %arg12[%dma_wait3A_61] : memref<10000xi32, #tpu.memory_space<vmem>> -> memref<10000xi32, #tpu.memory_space<vmem>>
    %dma_wait3A_63 = tpu.memref_slice %arg6[%mul3A_2] : memref<320000xi32, #tpu.memory_space<hbm>> -> memref<10000xi32, #tpu.memory_space<hbm>>
    %dma_wait3A_64 = arith.constant 0 : i32
    %dma_wait3A_65 = tpu.memref_slice %arg12[%dma_wait3A_64] : memref<10000xi32, #tpu.memory_space<vmem>> -> memref<10000xi32, #tpu.memory_space<vmem>>
    %dma_wait3A_66 = tpu.memref_slice %arg6[%mul3A_2] : memref<320000xi32, #tpu.memory_space<hbm>> -> memref<10000xi32, #tpu.memory_space<hbm>>
    tpu.wait_dma2 semaphore(%arg16 : memref<!tpu.dma_semaphore, #tpu.memory_space<semaphore_mem>>) src(%dma_wait3A_66 : memref<10000xi32, #tpu.memory_space<hbm>>) dst(%dma_wait3A_65 : memref<10000xi32, #tpu.memory_space<vmem>>)
    %broadcast_in_dim3A = arith.constant 0 : i32
    %broadcast_in_dim3A_67 = vector.broadcast %broadcast_in_dim3A : i32 to vector<16xi32>
    %scan3A = arith.constant 0 : i32
    %scan3A_68 = arith.constant 0 : i32
    %scan3A_69 = arith.constant 624 : i32
    %scan3A_70 = arith.addi %scan3A_68, %scan3A_69 : i32
    %scan3A_71 = arith.constant 2 : i32
    %scan3A_72 = scf.for %scan3A_265 = %scan3A_68 to %scan3A_70 step %scan3A_71 iter_args(%scan3A_266 = %scan3A) -> (i32)  : i32 {
      %mul3A_267 = arith.constant 16 : i32
      %mul3A_268 = arith.muli %scan3A_265, %mul3A_267 : i32
      %multiple_of3A_269 = tpu.assume_multiple %mul3A_268, 16 : i32
      %add3A_270 = arith.constant 0 : i32
      %add3A_271 = arith.addi %multiple_of3A_269, %add3A_270 : i32
      %get3A_272 = arith.index_cast %add3A_271 : i32 to index
      %get3A_273 = tpu.vector_load %arg9[%get3A_272] {strides = array<i32>} : memref<10000xi32, #tpu.memory_space<vmem>>, vector<16xi32>,
      %get3A_274 = vector.shape_cast %get3A_273 : vector<16xi32> to vector<16xi32>
      %get3A_275 = arith.index_cast %add3A_271 : i32 to index
      %get3A_276 = tpu.vector_load %arg10[%get3A_275] {strides = array<i32>} : memref<10000xi32, #tpu.memory_space<vmem>>, vector<16xi32>,
      %get3A_277 = vector.shape_cast %get3A_276 : vector<16xi32> to vector<16xi32>
      %get3A_278 = arith.index_cast %add3A_271 : i32 to index
      %get3A_279 = tpu.vector_load %arg11[%get3A_278] {strides = array<i32>} : memref<10000xi32, #tpu.memory_space<vmem>>, vector<16xi32>,
      %get3A_280 = vector.shape_cast %get3A_279 : vector<16xi32> to vector<16xi32>
      %get3A_281 = arith.index_cast %add3A_271 : i32 to index
      %get3A_282 = tpu.vector_load %arg12[%get3A_281] {strides = array<i32>} : memref<10000xi32, #tpu.memory_space<vmem>>, vector<16xi32>,
      %get3A_283 = vector.shape_cast %get3A_282 : vector<16xi32> to vector<16xi32>
      %shift_left3A_284 = arith.constant 9 : i32
      %shift_left3A_285 = vector.broadcast %shift_left3A_284 : i32 to vector<16xi32>
      %shift_left3A_286 = arith.shli %get3A_274, %shift_left3A_285 : vector<16xi32>
      %and3A_287 = arith.constant 7 : i32
      %and3A_288 = vector.broadcast %and3A_287 : i32 to vector<16xi32>
      %and3A_289 = arith.andi %get3A_274, %and3A_288 : vector<16xi32>
      %mul3A_290 = arith.constant 384 : i32
      %mul3A_291 = vector.broadcast %mul3A_290 : i32 to vector<16xi32>
      %mul3A_292 = arith.muli %and3A_289, %mul3A_291 : vector<16xi32>
      %sub3A_293 = arith.subi %shift_left3A_286, %mul3A_292 : vector<16xi32>
      %shift_left3A_294 = arith.constant 3 : i32
      %shift_left3A_295 = vector.broadcast %shift_left3A_294 : i32 to vector<16xi32>
      %shift_left3A_296 = arith.shli %get3A_277, %shift_left3A_295 : vector<16xi32>
      %add3A_297 = arith.addi %sub3A_293, %shift_left3A_296 : vector<16xi32>
      %and3A_298 = arith.constant 127 : i32
      %and3A_299 = vector.broadcast %and3A_298 : i32 to vector<16xi32>
      %and3A_300 = arith.andi %get3A_277, %and3A_299 : vector<16xi32>
      %mul3A_301 = arith.constant 7 : i32
      %mul3A_302 = vector.broadcast %mul3A_301 : i32 to vector<16xi32>
      %mul3A_303 = arith.muli %and3A_300, %mul3A_302 : vector<16xi32>
      %sub3A_304 = arith.subi %add3A_297, %mul3A_303 : vector<16xi32>
      %add3A_305 = vector.broadcast %mul3A_20 : i32 to vector<16xi32>
      %add3A_306 = arith.addi %sub3A_304, %add3A_305 : vector<16xi32>
      %shift_left3A_307 = arith.constant 9 : i32
      %shift_left3A_308 = vector.broadcast %shift_left3A_307 : i32 to vector<16xi32>
      %shift_left3A_309 = arith.shli %get3A_280, %shift_left3A_308 : vector<16xi32>
      %and3A_310 = arith.constant 7 : i32
      %and3A_311 = vector.broadcast %and3A_310 : i32 to vector<16xi32>
      %and3A_312 = arith.andi %get3A_280, %and3A_311 : vector<16xi32>
      %mul3A_313 = arith.constant 384 : i32
      %mul3A_314 = vector.broadcast %mul3A_313 : i32 to vector<16xi32>
      %mul3A_315 = arith.muli %and3A_312, %mul3A_314 : vector<16xi32>
      %sub3A_316 = arith.subi %shift_left3A_309, %mul3A_315 : vector<16xi32>
      %shift_left3A_317 = arith.constant 3 : i32
      %shift_left3A_318 = vector.broadcast %shift_left3A_317 : i32 to vector<16xi32>
      %shift_left3A_319 = arith.shli %get3A_283, %shift_left3A_318 : vector<16xi32>
      %add3A_320 = arith.addi %sub3A_316, %shift_left3A_319 : vector<16xi32>
      %and3A_321 = arith.constant 127 : i32
      %and3A_322 = vector.broadcast %and3A_321 : i32 to vector<16xi32>
      %and3A_323 = arith.andi %get3A_283, %and3A_322 : vector<16xi32>
      %mul3A_324 = arith.constant 7 : i32
      %mul3A_325 = vector.broadcast %mul3A_324 : i32 to vector<16xi32>
      %mul3A_326 = arith.muli %and3A_323, %mul3A_325 : vector<16xi32>
      %sub3A_327 = arith.subi %add3A_320, %mul3A_326 : vector<16xi32>
      %add3A_328 = vector.broadcast %mul3A_20 : i32 to vector<16xi32>
      %add3A_329 = arith.addi %sub3A_327, %add3A_328 : vector<16xi32>
      %dma_start3A_330 = tpu.memref_slice %arg14[%add3A_271] : memref<20000xf32, #tpu.memory_space<vmem>> -> memref<16xf32, #tpu.memory_space<vmem>>
      %dma_start3A_331 = arith.constant 0 : i32
      %dma_start3A_332 = tpu.memref_slice %arg2[%dma_start3A_331] : memref<4194304xf32, #tpu.memory_space<hbm>> -> memref<4194304xf32, #tpu.memory_space<hbm>>
      tpu.enqueue_indirect_dma source(%dma_start3A_332 : memref<4194304xf32, #tpu.memory_space<hbm>>) target(%dma_start3A_330 : memref<16xf32, #tpu.memory_space<vmem>>) offsets(%add3A_306 : vector<16xi32>) semaphore(%arg16 : memref<!tpu.dma_semaphore, #tpu.memory_space<semaphore_mem>>)
      %add3A_333 = arith.constant 10000 : i32
      %add3A_334 = arith.addi %add3A_333, %add3A_271 : i32
      %dma_start3A_335 = tpu.memref_slice %arg14[%add3A_334] : memref<20000xf32, #tpu.memory_space<vmem>> -> memref<16xf32, #tpu.memory_space<vmem>>
      %dma_start3A_336 = arith.constant 0 : i32
      %dma_start3A_337 = tpu.memref_slice %arg2[%dma_start3A_336] : memref<4194304xf32, #tpu.memory_space<hbm>> -> memref<4194304xf32, #tpu.memory_space<hbm>>
      tpu.enqueue_indirect_dma source(%dma_start3A_337 : memref<4194304xf32, #tpu.memory_space<hbm>>) target(%dma_start3A_335 : memref<16xf32, #tpu.memory_space<vmem>>) offsets(%add3A_329 : vector<16xi32>) semaphore(%arg16 : memref<!tpu.dma_semaphore, #tpu.memory_space<semaphore_mem>>)
      %scan3A_338 = arith.constant 0 : i32
      %scan3A_339 = arith.constant 1 : i32
      %scan3A_340 = arith.addi %scan3A_265, %scan3A_339 : i32
      %mul3A_341 = arith.constant 16 : i32
      %mul3A_342 = arith.muli %scan3A_340, %mul3A_341 : i32
      %multiple_of3A_343 = tpu.assume_multiple %mul3A_342, 16 : i32
      %add3A_344 = arith.constant 0 : i32
      %add3A_345 = arith.addi %multiple_of3A_343, %add3A_344 : i32
      %get3A_346 = arith.index_cast %add3A_345 : i32 to index
      %get3A_347 = tpu.vector_load %arg9[%get3A_346] {strides = array<i32>} : memref<10000xi32, #tpu.memory_space<vmem>>, vector<16xi32>,
      %get3A_348 = vector.shape_cast %get3A_347 : vector<16xi32> to vector<16xi32>
      %get3A_349 = arith.index_cast %add3A_345 : i32 to index
      %get3A_350 = tpu.vector_load %arg10[%get3A_349] {strides = array<i32>} : memref<10000xi32, #tpu.memory_space<vmem>>, vector<16xi32>,
      %get3A_351 = vector.shape_cast %get3A_350 : vector<16xi32> to vector<16xi32>
      %get3A_352 = arith.index_cast %add3A_345 : i32 to index
      %get3A_353 = tpu.vector_load %arg11[%get3A_352] {strides = array<i32>} : memref<10000xi32, #tpu.memory_space<vmem>>, vector<16xi32>,
      %get3A_354 = vector.shape_cast %get3A_353 : vector<16xi32> to vector<16xi32>
      %get3A_355 = arith.index_cast %add3A_345 : i32 to index
      %get3A_356 = tpu.vector_load %arg12[%get3A_355] {strides = array<i32>} : memref<10000xi32, #tpu.memory_space<vmem>>, vector<16xi32>,
      %get3A_357 = vector.shape_cast %get3A_356 : vector<16xi32> to vector<16xi32>
      %shift_left3A_358 = arith.constant 9 : i32
      %shift_left3A_359 = vector.broadcast %shift_left3A_358 : i32 to vector<16xi32>
      %shift_left3A_360 = arith.shli %get3A_348, %shift_left3A_359 : vector<16xi32>
      %and3A_361 = arith.constant 7 : i32
      %and3A_362 = vector.broadcast %and3A_361 : i32 to vector<16xi32>
      %and3A_363 = arith.andi %get3A_348, %and3A_362 : vector<16xi32>
      %mul3A_364 = arith.constant 384 : i32
      %mul3A_365 = vector.broadcast %mul3A_364 : i32 to vector<16xi32>
      %mul3A_366 = arith.muli %and3A_363, %mul3A_365 : vector<16xi32>
      %sub3A_367 = arith.subi %shift_left3A_360, %mul3A_366 : vector<16xi32>
      %shift_left3A_368 = arith.constant 3 : i32
      %shift_left3A_369 = vector.broadcast %shift_left3A_368 : i32 to vector<16xi32>
      %shift_left3A_370 = arith.shli %get3A_351, %shift_left3A_369 : vector<16xi32>
      %add3A_371 = arith.addi %sub3A_367, %shift_left3A_370 : vector<16xi32>
      %and3A_372 = arith.constant 127 : i32
      %and3A_373 = vector.broadcast %and3A_372 : i32 to vector<16xi32>
      %and3A_374 = arith.andi %get3A_351, %and3A_373 : vector<16xi32>
      %mul3A_375 = arith.constant 7 : i32
      %mul3A_376 = vector.broadcast %mul3A_375 : i32 to vector<16xi32>
      %mul3A_377 = arith.muli %and3A_374, %mul3A_376 : vector<16xi32>
      %sub3A_378 = arith.subi %add3A_371, %mul3A_377 : vector<16xi32>
      %add3A_379 = vector.broadcast %mul3A_20 : i32 to vector<16xi32>
      %add3A_380 = arith.addi %sub3A_378, %add3A_379 : vector<16xi32>
      %shift_left3A_381 = arith.constant 9 : i32
      %shift_left3A_382 = vector.broadcast %shift_left3A_381 : i32 to vector<16xi32>
      %shift_left3A_383 = arith.shli %get3A_354, %shift_left3A_382 : vector<16xi32>
      %and3A_384 = arith.constant 7 : i32
      %and3A_385 = vector.broadcast %and3A_384 : i32 to vector<16xi32>
      %and3A_386 = arith.andi %get3A_354, %and3A_385 : vector<16xi32>
      %mul3A_387 = arith.constant 384 : i32
      %mul3A_388 = vector.broadcast %mul3A_387 : i32 to vector<16xi32>
      %mul3A_389 = arith.muli %and3A_386, %mul3A_388 : vector<16xi32>
      %sub3A_390 = arith.subi %shift_left3A_383, %mul3A_389 : vector<16xi32>
      %shift_left3A_391 = arith.constant 3 : i32
      %shift_left3A_392 = vector.broadcast %shift_left3A_391 : i32 to vector<16xi32>
      %shift_left3A_393 = arith.shli %get3A_357, %shift_left3A_392 : vector<16xi32>
      %add3A_394 = arith.addi %sub3A_390, %shift_left3A_393 : vector<16xi32>
      %and3A_395 = arith.constant 127 : i32
      %and3A_396 = vector.broadcast %and3A_395 : i32 to vector<16xi32>
      %and3A_397 = arith.andi %get3A_357, %and3A_396 : vector<16xi32>
      %mul3A_398 = arith.constant 7 : i32
      %mul3A_399 = vector.broadcast %mul3A_398 : i32 to vector<16xi32>
      %mul3A_400 = arith.muli %and3A_397, %mul3A_399 : vector<16xi32>
      %sub3A_401 = arith.subi %add3A_394, %mul3A_400 : vector<16xi32>
      %add3A_402 = vector.broadcast %mul3A_20 : i32 to vector<16xi32>
      %add3A_403 = arith.addi %sub3A_401, %add3A_402 : vector<16xi32>
      %dma_start3A_404 = tpu.memref_slice %arg14[%add3A_345] : memref<20000xf32, #tpu.memory_space<vmem>> -> memref<16xf32, #tpu.memory_space<vmem>>
      %dma_start3A_405 = arith.constant 0 : i32
      %dma_start3A_406 = tpu.memref_slice %arg2[%dma_start3A_405] : memref<4194304xf32, #tpu.memory_space<hbm>> -> memref<4194304xf32, #tpu.memory_space<hbm>>
      tpu.enqueue_indirect_dma source(%dma_start3A_406 : memref<4194304xf32, #tpu.memory_space<hbm>>) target(%dma_start3A_404 : memref<16xf32, #tpu.memory_space<vmem>>) offsets(%add3A_380 : vector<16xi32>) semaphore(%arg16 : memref<!tpu.dma_semaphore, #tpu.memory_space<semaphore_mem>>)
      %add3A_407 = arith.constant 10000 : i32
      %add3A_408 = arith.addi %add3A_407, %add3A_345 : i32
      %dma_start3A_409 = tpu.memref_slice %arg14[%add3A_408] : memref<20000xf32, #tpu.memory_space<vmem>> -> memref<16xf32, #tpu.memory_space<vmem>>
      %dma_start3A_410 = arith.constant 0 : i32
      %dma_start3A_411 = tpu.memref_slice %arg2[%dma_start3A_410] : memref<4194304xf32, #tpu.memory_space<hbm>> -> memref<4194304xf32, #tpu.memory_space<hbm>>
      tpu.enqueue_indirect_dma source(%dma_start3A_411 : memref<4194304xf32, #tpu.memory_space<hbm>>) target(%dma_start3A_409 : memref<16xf32, #tpu.memory_space<vmem>>) offsets(%add3A_403 : vector<16xi32>) semaphore(%arg16 : memref<!tpu.dma_semaphore, #tpu.memory_space<semaphore_mem>>)
      %scan3A_412 = arith.constant 0 : i32
      scf.yield %scan3A_412 : i32
    }
    %scan3A_73 = arith.constant 624 : i32
    %scan3A_74 = arith.addi %scan3A_68, %scan3A_73 : i32
    %mul3A_75 = arith.constant 16 : i32
    %mul3A_76 = arith.muli %scan3A_74, %mul3A_75 : i32
    %multiple_of3A = tpu.assume_multiple %mul3A_76, 16 : i32
    %add3A_77 = arith.constant 0 : i32
    %add3A_78 = arith.addi %multiple_of3A, %add3A_77 : i32
    %get3A = arith.index_cast %add3A_78 : i32 to index
    %get3A_79 = tpu.vector_load %arg9[%get3A] {strides = array<i32>} : memref<10000xi32, #tpu.memory_space<vmem>>, vector<16xi32>,
    %get3A_80 = vector.shape_cast %get3A_79 : vector<16xi32> to vector<16xi32>
    %get3A_81 = arith.index_cast %add3A_78 : i32 to index
    %get3A_82 = tpu.vector_load %arg10[%get3A_81] {strides = array<i32>} : memref<10000xi32, #tpu.memory_space<vmem>>, vector<16xi32>,
    %get3A_83 = vector.shape_cast %get3A_82 : vector<16xi32> to vector<16xi32>
    %get3A_84 = arith.index_cast %add3A_78 : i32 to index
    %get3A_85 = tpu.vector_load %arg11[%get3A_84] {strides = array<i32>} : memref<10000xi32, #tpu.memory_space<vmem>>, vector<16xi32>,
    %get3A_86 = vector.shape_cast %get3A_85 : vector<16xi32> to vector<16xi32>
    %get3A_87 = arith.index_cast %add3A_78 : i32 to index
    %get3A_88 = tpu.vector_load %arg12[%get3A_87] {strides = array<i32>} : memref<10000xi32, #tpu.memory_space<vmem>>, vector<16xi32>,
    %get3A_89 = vector.shape_cast %get3A_88 : vector<16xi32> to vector<16xi32>
    %shift_left3A = arith.constant 9 : i32
    %shift_left3A_90 = vector.broadcast %shift_left3A : i32 to vector<16xi32>
    %shift_left3A_91 = arith.shli %get3A_80, %shift_left3A_90 : vector<16xi32>
    %and3A_92 = arith.constant 7 : i32
    %and3A_93 = vector.broadcast %and3A_92 : i32 to vector<16xi32>
    %and3A_94 = arith.andi %get3A_80, %and3A_93 : vector<16xi32>
    %mul3A_95 = arith.constant 384 : i32
    %mul3A_96 = vector.broadcast %mul3A_95 : i32 to vector<16xi32>
    %mul3A_97 = arith.muli %and3A_94, %mul3A_96 : vector<16xi32>
    %sub3A_98 = arith.subi %shift_left3A_91, %mul3A_97 : vector<16xi32>
    %shift_left3A_99 = arith.constant 3 : i32
    %shift_left3A_100 = vector.broadcast %shift_left3A_99 : i32 to vector<16xi32>
    %shift_left3A_101 = arith.shli %get3A_83, %shift_left3A_100 : vector<16xi32>
    %add3A_102 = arith.addi %sub3A_98, %shift_left3A_101 : vector<16xi32>
    %and3A_103 = arith.constant 127 : i32
    %and3A_104 = vector.broadcast %and3A_103 : i32 to vector<16xi32>
    %and3A_105 = arith.andi %get3A_83, %and3A_104 : vector<16xi32>
    %mul3A_106 = arith.constant 7 : i32
    %mul3A_107 = vector.broadcast %mul3A_106 : i32 to vector<16xi32>
    %mul3A_108 = arith.muli %and3A_105, %mul3A_107 : vector<16xi32>
    %sub3A_109 = arith.subi %add3A_102, %mul3A_108 : vector<16xi32>
    %add3A_110 = vector.broadcast %mul3A_20 : i32 to vector<16xi32>
    %add3A_111 = arith.addi %sub3A_109, %add3A_110 : vector<16xi32>
    %shift_left3A_112 = arith.constant 9 : i32
    %shift_left3A_113 = vector.broadcast %shift_left3A_112 : i32 to vector<16xi32>
    %shift_left3A_114 = arith.shli %get3A_86, %shift_left3A_113 : vector<16xi32>
    %and3A_115 = arith.constant 7 : i32
    %and3A_116 = vector.broadcast %and3A_115 : i32 to vector<16xi32>
    %and3A_117 = arith.andi %get3A_86, %and3A_116 : vector<16xi32>
    %mul3A_118 = arith.constant 384 : i32
    %mul3A_119 = vector.broadcast %mul3A_118 : i32 to vector<16xi32>
    %mul3A_120 = arith.muli %and3A_117, %mul3A_119 : vector<16xi32>
    %sub3A_121 = arith.subi %shift_left3A_114, %mul3A_120 : vector<16xi32>
    %shift_left3A_122 = arith.constant 3 : i32
    %shift_left3A_123 = vector.broadcast %shift_left3A_122 : i32 to vector<16xi32>
    %shift_left3A_124 = arith.shli %get3A_89, %shift_left3A_123 : vector<16xi32>
    %add3A_125 = arith.addi %sub3A_121, %shift_left3A_124 : vector<16xi32>
    %and3A_126 = arith.constant 127 : i32
    %and3A_127 = vector.broadcast %and3A_126 : i32 to vector<16xi32>
    %and3A_128 = arith.andi %get3A_89, %and3A_127 : vector<16xi32>
    %mul3A_129 = arith.constant 7 : i32
    %mul3A_130 = vector.broadcast %mul3A_129 : i32 to vector<16xi32>
    %mul3A_131 = arith.muli %and3A_128, %mul3A_130 : vector<16xi32>
    %sub3A_132 = arith.subi %add3A_125, %mul3A_131 : vector<16xi32>
    %add3A_133 = vector.broadcast %mul3A_20 : i32 to vector<16xi32>
    %add3A_134 = arith.addi %sub3A_132, %add3A_133 : vector<16xi32>
    %dma_start3A_135 = tpu.memref_slice %arg14[%add3A_78] : memref<20000xf32, #tpu.memory_space<vmem>> -> memref<16xf32, #tpu.memory_space<vmem>>
    %dma_start3A_136 = arith.constant 0 : i32
    %dma_start3A_137 = tpu.memref_slice %arg2[%dma_start3A_136] : memref<4194304xf32, #tpu.memory_space<hbm>> -> memref<4194304xf32, #tpu.memory_space<hbm>>
    tpu.enqueue_indirect_dma source(%dma_start3A_137 : memref<4194304xf32, #tpu.memory_space<hbm>>) target(%dma_start3A_135 : memref<16xf32, #tpu.memory_space<vmem>>) offsets(%add3A_111 : vector<16xi32>) semaphore(%arg16 : memref<!tpu.dma_semaphore, #tpu.memory_space<semaphore_mem>>)
    %add3A_138 = arith.constant 10000 : i32
    %add3A_139 = arith.addi %add3A_138, %add3A_78 : i32
    %dma_start3A_140 = tpu.memref_slice %arg14[%add3A_139] : memref<20000xf32, #tpu.memory_space<vmem>> -> memref<16xf32, #tpu.memory_space<vmem>>
    %dma_start3A_141 = arith.constant 0 : i32
    %dma_start3A_142 = tpu.memref_slice %arg2[%dma_start3A_141] : memref<4194304xf32, #tpu.memory_space<hbm>> -> memref<4194304xf32, #tpu.memory_space<hbm>>
    tpu.enqueue_indirect_dma source(%dma_start3A_142 : memref<4194304xf32, #tpu.memory_space<hbm>>) target(%dma_start3A_140 : memref<16xf32, #tpu.memory_space<vmem>>) offsets(%add3A_134 : vector<16xi32>) semaphore(%arg16 : memref<!tpu.dma_semaphore, #tpu.memory_space<semaphore_mem>>)
    %scan3A_143 = arith.constant 0 : i32
    %scan3A_144 = arith.constant 625 : i32
    %dma_start3A_145 = arith.constant 0 : i32
    %dma_start3A_146 = tpu.memref_slice %arg13[%dma_start3A_145] : memref<10000xi32, #tpu.memory_space<vmem>> -> memref<10000xi32, #tpu.memory_space<vmem>>
    %dma_start3A_147 = tpu.memref_slice %arg7[%mul3A_2] : memref<320000xi32, #tpu.memory_space<hbm>> -> memref<10000xi32, #tpu.memory_space<hbm>>
    %dma_start3A_148 = arith.constant 0 : i32
    %dma_start3A_149 = tpu.memref_slice %arg13[%dma_start3A_148] : memref<10000xi32, #tpu.memory_space<vmem>> -> memref<10000xi32, #tpu.memory_space<vmem>>
    %dma_start3A_150 = tpu.memref_slice %arg7[%mul3A_2] : memref<320000xi32, #tpu.memory_space<hbm>> -> memref<10000xi32, #tpu.memory_space<hbm>>
    tpu.enqueue_dma source(%dma_start3A_150 : memref<10000xi32, #tpu.memory_space<hbm>>) target(%dma_start3A_149 : memref<10000xi32, #tpu.memory_space<vmem>>) target_semaphore(%arg17 : memref<!tpu.dma_semaphore, #tpu.memory_space<semaphore_mem>>)
    %dma_wait3A_151 = arith.constant 0 : i32
    %dma_wait3A_152 = tpu.memref_slice %arg14[%dma_wait3A_151] : memref<20000xf32, #tpu.memory_space<vmem>> -> memref<10000xf32, #tpu.memory_space<vmem>>
    %dma_wait3A_153 = arith.constant 0 : i32
    %dma_wait3A_154 = tpu.memref_slice %arg2[%dma_wait3A_153] : memref<4194304xf32, #tpu.memory_space<hbm>> -> memref<10000xf32, #tpu.memory_space<hbm>>
    %dma_wait3A_155 = arith.constant 0 : i32
    %dma_wait3A_156 = tpu.memref_slice %arg14[%dma_wait3A_155] : memref<20000xf32, #tpu.memory_space<vmem>> -> memref<10000xf32, #tpu.memory_space<vmem>>
    %dma_wait3A_157 = arith.constant 0 : i32
    %dma_wait3A_158 = tpu.memref_slice %arg2[%dma_wait3A_157] : memref<4194304xf32, #tpu.memory_space<hbm>> -> memref<10000xf32, #tpu.memory_space<hbm>>
    tpu.wait_dma2 semaphore(%arg16 : memref<!tpu.dma_semaphore, #tpu.memory_space<semaphore_mem>>) src(%dma_wait3A_158 : memref<10000xf32, #tpu.memory_space<hbm>>) dst(%dma_wait3A_156 : memref<10000xf32, #tpu.memory_space<vmem>>)
    %dma_wait3A_159 = arith.constant 10000 : i32
    %dma_wait3A_160 = tpu.memref_slice %arg14[%dma_wait3A_159] : memref<20000xf32, #tpu.memory_space<vmem>> -> memref<10000xf32, #tpu.memory_space<vmem>>
    %dma_wait3A_161 = arith.constant 0 : i32
    %dma_wait3A_162 = tpu.memref_slice %arg2[%dma_wait3A_161] : memref<4194304xf32, #tpu.memory_space<hbm>> -> memref<10000xf32, #tpu.memory_space<hbm>>
    %dma_wait3A_163 = arith.constant 10000 : i32
    %dma_wait3A_164 = tpu.memref_slice %arg14[%dma_wait3A_163] : memref<20000xf32, #tpu.memory_space<vmem>> -> memref<10000xf32, #tpu.memory_space<vmem>>
    %dma_wait3A_165 = arith.constant 0 : i32
    %dma_wait3A_166 = tpu.memref_slice %arg2[%dma_wait3A_165] : memref<4194304xf32, #tpu.memory_space<hbm>> -> memref<10000xf32, #tpu.memory_space<hbm>>
    tpu.wait_dma2 semaphore(%arg16 : memref<!tpu.dma_semaphore, #tpu.memory_space<semaphore_mem>>) src(%dma_wait3A_166 : memref<10000xf32, #tpu.memory_space<hbm>>) dst(%dma_wait3A_164 : memref<10000xf32, #tpu.memory_space<vmem>>)
    %dma_wait3A_167 = arith.constant 0 : i32
    %dma_wait3A_168 = tpu.memref_slice %arg13[%dma_wait3A_167] : memref<10000xi32, #tpu.memory_space<vmem>> -> memref<10000xi32, #tpu.memory_space<vmem>>
    %dma_wait3A_169 = tpu.memref_slice %arg7[%mul3A_2] : memref<320000xi32, #tpu.memory_space<hbm>> -> memref<10000xi32, #tpu.memory_space<hbm>>
    %dma_wait3A_170 = arith.constant 0 : i32
    %dma_wait3A_171 = tpu.memref_slice %arg13[%dma_wait3A_170] : memref<10000xi32, #tpu.memory_space<vmem>> -> memref<10000xi32, #tpu.memory_space<vmem>>
    %dma_wait3A_172 = tpu.memref_slice %arg7[%mul3A_2] : memref<320000xi32, #tpu.memory_space<hbm>> -> memref<10000xi32, #tpu.memory_space<hbm>>
    tpu.wait_dma2 semaphore(%arg17 : memref<!tpu.dma_semaphore, #tpu.memory_space<semaphore_mem>>) src(%dma_wait3A_172 : memref<10000xi32, #tpu.memory_space<hbm>>) dst(%dma_wait3A_171 : memref<10000xi32, #tpu.memory_space<vmem>>)
    %broadcast_in_dim3A_173 = arith.constant 0.000000e+00 : f32
    %broadcast_in_dim3A_174 = vector.broadcast %broadcast_in_dim3A_173 : f32 to vector<16xf32>
    %scan3A_175 = arith.constant 0 : i32
    %scan3A_176 = arith.constant 624 : i32
    %scan3A_177 = arith.addi %scan3A_175, %scan3A_176 : i32
    %scan3A_178 = arith.constant 8 : i32
    %scan3A_179:3 = scf.for %scan3A_265 = %scan3A_175 to %scan3A_177 step %scan3A_178 iter_args(%scan3A_266 = %broadcast_in_dim3A_174, %scan3A_267 = %broadcast_in_dim3A_174, %scan3A_268 = %broadcast_in_dim3A_174) -> (vector<16xf32>, vector<16xf32>, vector<16xf32>)  : i32 {
      %mul3A_269 = arith.constant 16 : i32
      %mul3A_270 = arith.muli %scan3A_265, %mul3A_269 : i32
      %multiple_of3A_271 = tpu.assume_multiple %mul3A_270, 16 : i32
      %get3A_272 = arith.index_cast %multiple_of3A_271 : i32 to index
      %get3A_273 = tpu.vector_load %arg14[%get3A_272] {strides = array<i32>} : memref<20000xf32, #tpu.memory_space<vmem>>, vector<16xf32>,
      %get3A_274 = vector.shape_cast %get3A_273 : vector<16xf32> to vector<16xf32>
      %add3A_275 = arith.constant 10000 : i32
      %add3A_276 = arith.addi %add3A_275, %multiple_of3A_271 : i32
      %get3A_277 = arith.index_cast %add3A_276 : i32 to index
      %get3A_278 = tpu.vector_load %arg14[%get3A_277] {strides = array<i32>} : memref<20000xf32, #tpu.memory_space<vmem>>, vector<16xf32>,
      %get3A_279 = vector.shape_cast %get3A_278 : vector<16xf32> to vector<16xf32>
      %get3A_280 = arith.index_cast %multiple_of3A_271 : i32 to index
      %get3A_281 = tpu.vector_load %arg13[%get3A_280] {strides = array<i32>} : memref<10000xi32, #tpu.memory_space<vmem>>, vector<16xi32>,
      %get3A_282 = vector.shape_cast %get3A_281 : vector<16xi32> to vector<16xi32>
      %convert_element_type3A_283 = arith.sitofp %get3A_282 : vector<16xi32> to vector<16xf32>
      %sub3A_284 = arith.subf %get3A_274, %get3A_279 : vector<16xf32>
      %neg3A_285 = arith.constant 0.000000e+00 : f32
      %neg3A_286 = vector.broadcast %neg3A_285 : f32 to vector<16xf32>
      %neg3A_287 = arith.subf %neg3A_286, %convert_element_type3A_283 : vector<16xf32>
      %mul3A_288 = arith.mulf %neg3A_287, %sub3A_284 : vector<16xf32>
      %exp3A_289 = math.exp %mul3A_288 : vector<16xf32>
      %add3A_290 = arith.constant 1.000000e+00 : f32
      %add3A_291 = vector.broadcast %add3A_290 : f32 to vector<16xf32>
      %add3A_292 = arith.addf %add3A_291, %exp3A_289 : vector<16xf32>
      %bitcast_convert_type3A_293 = tpu.bitcast %add3A_292 : vector<16xf32> -> vector<16xi32>
      %shift_right_arithmetic3A_294 = arith.constant 23 : i32
      %shift_right_arithmetic3A_295 = vector.broadcast %shift_right_arithmetic3A_294 : i32 to vector<16xi32>
      %shift_right_arithmetic3A_296 = arith.shrsi %bitcast_convert_type3A_293, %shift_right_arithmetic3A_295 : vector<16xi32>
      %sub3A_297 = arith.constant 127 : i32
      %sub3A_298 = vector.broadcast %sub3A_297 : i32 to vector<16xi32>
      %sub3A_299 = arith.subi %shift_right_arithmetic3A_296, %sub3A_298 : vector<16xi32>
      %and3A_300 = arith.constant 8388607 : i32
      %and3A_301 = vector.broadcast %and3A_300 : i32 to vector<16xi32>
      %and3A_302 = arith.andi %bitcast_convert_type3A_293, %and3A_301 : vector<16xi32>
      %or3A_303 = arith.constant 1065353216 : i32
      %or3A_304 = vector.broadcast %or3A_303 : i32 to vector<16xi32>
      %or3A_305 = arith.ori %and3A_302, %or3A_304 : vector<16xi32>
      %bitcast_convert_type3A_306 = tpu.bitcast %or3A_305 : vector<16xi32> -> vector<16xf32>
      %sub3A_307 = arith.constant 1.000000e+00 : f32
      %sub3A_308 = vector.broadcast %sub3A_307 : f32 to vector<16xf32>
      %sub3A_309 = arith.subf %bitcast_convert_type3A_306, %sub3A_308 : vector<16xf32>
      %add3A_310 = arith.constant 1.000000e+00 : f32
      %add3A_311 = vector.broadcast %add3A_310 : f32 to vector<16xf32>
      %add3A_312 = arith.addf %bitcast_convert_type3A_306, %add3A_311 : vector<16xf32>
      %div3A_313 = arith.divf %sub3A_309, %add3A_312 : vector<16xf32>
      %mul3A_314 = arith.mulf %div3A_313, %div3A_313 : vector<16xf32>
      %mul3A_315 = arith.constant 2.000000e+00 : f32
      %mul3A_316 = vector.broadcast %mul3A_315 : f32 to vector<16xf32>
      %mul3A_317 = arith.mulf %mul3A_316, %div3A_313 : vector<16xf32>
      %mul3A_318 = arith.constant 0.142857149 : f32
      %mul3A_319 = vector.broadcast %mul3A_318 : f32 to vector<16xf32>
      %mul3A_320 = arith.mulf %mul3A_314, %mul3A_319 : vector<16xf32>
      %add3A_321 = arith.constant 2.000000e-01 : f32
      %add3A_322 = vector.broadcast %add3A_321 : f32 to vector<16xf32>
      %add3A_323 = arith.addf %add3A_322, %mul3A_320 : vector<16xf32>
      %mul3A_324 = arith.mulf %mul3A_314, %add3A_323 : vector<16xf32>
      %add3A_325 = arith.constant 0.333333343 : f32
      %add3A_326 = vector.broadcast %add3A_325 : f32 to vector<16xf32>
      %add3A_327 = arith.addf %add3A_326, %mul3A_324 : vector<16xf32>
      %mul3A_328 = arith.mulf %mul3A_314, %add3A_327 : vector<16xf32>
      %add3A_329 = arith.constant 1.000000e+00 : f32
      %add3A_330 = vector.broadcast %add3A_329 : f32 to vector<16xf32>
      %add3A_331 = arith.addf %add3A_330, %mul3A_328 : vector<16xf32>
      %mul3A_332 = arith.mulf %mul3A_317, %add3A_331 : vector<16xf32>
      %convert_element_type3A_333 = arith.sitofp %sub3A_299 : vector<16xi32> to vector<16xf32>
      %mul3A_334 = arith.constant 0.693147182 : f32
      %mul3A_335 = vector.broadcast %mul3A_334 : f32 to vector<16xf32>
      %mul3A_336 = arith.mulf %convert_element_type3A_333, %mul3A_335 : vector<16xf32>
      %add3A_337 = arith.addf %mul3A_336, %mul3A_332 : vector<16xf32>
      %mul3A_338 = arith.mulf %convert_element_type3A_283, %convert_element_type3A_283 : vector<16xf32>
      %mul3A_339 = arith.mulf %sub3A_284, %sub3A_284 : vector<16xf32>
      %mul3A_340 = arith.mulf %mul3A_338, %add3A_337 : vector<16xf32>
      %add3A_341 = arith.addf %scan3A_266, %mul3A_340 : vector<16xf32>
      %mul3A_342 = arith.mulf %mul3A_338, %mul3A_339 : vector<16xf32>
      %sub3A_343 = arith.subf %mul3A_339, %mul3A_342 : vector<16xf32>
      %add3A_344 = arith.addf %scan3A_267, %sub3A_343 : vector<16xf32>
      %add3A_345 = arith.addf %scan3A_268, %mul3A_338 : vector<16xf32>
      %scan3A_346 = arith.constant 1 : i32
      %scan3A_347 = arith.addi %scan3A_265, %scan3A_346 : i32
      %mul3A_348 = arith.constant 16 : i32
      %mul3A_349 = arith.muli %scan3A_347, %mul3A_348 : i32
      %multiple_of3A_350 = tpu.assume_multiple %mul3A_349, 16 : i32
      %get3A_351 = arith.index_cast %multiple_of3A_350 : i32 to index
      %get3A_352 = tpu.vector_load %arg14[%get3A_351] {strides = array<i32>} : memref<20000xf32, #tpu.memory_space<vmem>>, vector<16xf32>,
      %get3A_353 = vector.shape_cast %get3A_352 : vector<16xf32> to vector<16xf32>
      %add3A_354 = arith.constant 10000 : i32
      %add3A_355 = arith.addi %add3A_354, %multiple_of3A_350 : i32
      %get3A_356 = arith.index_cast %add3A_355 : i32 to index
      %get3A_357 = tpu.vector_load %arg14[%get3A_356] {strides = array<i32>} : memref<20000xf32, #tpu.memory_space<vmem>>, vector<16xf32>,
      %get3A_358 = vector.shape_cast %get3A_357 : vector<16xf32> to vector<16xf32>
      %get3A_359 = arith.index_cast %multiple_of3A_350 : i32 to index
      %get3A_360 = tpu.vector_load %arg13[%get3A_359] {strides = array<i32>} : memref<10000xi32, #tpu.memory_space<vmem>>, vector<16xi32>,
      %get3A_361 = vector.shape_cast %get3A_360 : vector<16xi32> to vector<16xi32>
      %convert_element_type3A_362 = arith.sitofp %get3A_361 : vector<16xi32> to vector<16xf32>
      %sub3A_363 = arith.subf %get3A_353, %get3A_358 : vector<16xf32>
      %neg3A_364 = arith.constant 0.000000e+00 : f32
      %neg3A_365 = vector.broadcast %neg3A_364 : f32 to vector<16xf32>
      %neg3A_366 = arith.subf %neg3A_365, %convert_element_type3A_362 : vector<16xf32>
      %mul3A_367 = arith.mulf %neg3A_366, %sub3A_363 : vector<16xf32>
      %exp3A_368 = math.exp %mul3A_367 : vector<16xf32>
      %add3A_369 = arith.constant 1.000000e+00 : f32
      %add3A_370 = vector.broadcast %add3A_369 : f32 to vector<16xf32>
      %add3A_371 = arith.addf %add3A_370, %exp3A_368 : vector<16xf32>
      %bitcast_convert_type3A_372 = tpu.bitcast %add3A_371 : vector<16xf32> -> vector<16xi32>
      %shift_right_arithmetic3A_373 = arith.constant 23 : i32
      %shift_right_arithmetic3A_374 = vector.broadcast %shift_right_arithmetic3A_373 : i32 to vector<16xi32>
      %shift_right_arithmetic3A_375 = arith.shrsi %bitcast_convert_type3A_372, %shift_right_arithmetic3A_374 : vector<16xi32>
      %sub3A_376 = arith.constant 127 : i32
      %sub3A_377 = vector.broadcast %sub3A_376 : i32 to vector<16xi32>
      %sub3A_378 = arith.subi %shift_right_arithmetic3A_375, %sub3A_377 : vector<16xi32>
      %and3A_379 = arith.constant 8388607 : i32
      %and3A_380 = vector.broadcast %and3A_379 : i32 to vector<16xi32>
      %and3A_381 = arith.andi %bitcast_convert_type3A_372, %and3A_380 : vector<16xi32>
      %or3A_382 = arith.constant 1065353216 : i32
      %or3A_383 = vector.broadcast %or3A_382 : i32 to vector<16xi32>
      %or3A_384 = arith.ori %and3A_381, %or3A_383 : vector<16xi32>
      %bitcast_convert_type3A_385 = tpu.bitcast %or3A_384 : vector<16xi32> -> vector<16xf32>
      %sub3A_386 = arith.constant 1.000000e+00 : f32
      %sub3A_387 = vector.broadcast %sub3A_386 : f32 to vector<16xf32>
      %sub3A_388 = arith.subf %bitcast_convert_type3A_385, %sub3A_387 : vector<16xf32>
      %add3A_389 = arith.constant 1.000000e+00 : f32
      %add3A_390 = vector.broadcast %add3A_389 : f32 to vector<16xf32>
      %add3A_391 = arith.addf %bitcast_convert_type3A_385, %add3A_390 : vector<16xf32>
      %div3A_392 = arith.divf %sub3A_388, %add3A_391 : vector<16xf32>
      %mul3A_393 = arith.mulf %div3A_392, %div3A_392 : vector<16xf32>
      %mul3A_394 = arith.constant 2.000000e+00 : f32
      %mul3A_395 = vector.broadcast %mul3A_394 : f32 to vector<16xf32>
      %mul3A_396 = arith.mulf %mul3A_395, %div3A_392 : vector<16xf32>
      %mul3A_397 = arith.constant 0.142857149 : f32
      %mul3A_398 = vector.broadcast %mul3A_397 : f32 to vector<16xf32>
      %mul3A_399 = arith.mulf %mul3A_393, %mul3A_398 : vector<16xf32>
      %add3A_400 = arith.constant 2.000000e-01 : f32
      %add3A_401 = vector.broadcast %add3A_400 : f32 to vector<16xf32>
      %add3A_402 = arith.addf %add3A_401, %mul3A_399 : vector<16xf32>
      %mul3A_403 = arith.mulf %mul3A_393, %add3A_402 : vector<16xf32>
      %add3A_404 = arith.constant 0.333333343 : f32
      %add3A_405 = vector.broadcast %add3A_404 : f32 to vector<16xf32>
      %add3A_406 = arith.addf %add3A_405, %mul3A_403 : vector<16xf32>
      %mul3A_407 = arith.mulf %mul3A_393, %add3A_406 : vector<16xf32>
      %add3A_408 = arith.constant 1.000000e+00 : f32
      %add3A_409 = vector.broadcast %add3A_408 : f32 to vector<16xf32>
      %add3A_410 = arith.addf %add3A_409, %mul3A_407 : vector<16xf32>
      %mul3A_411 = arith.mulf %mul3A_396, %add3A_410 : vector<16xf32>
      %convert_element_type3A_412 = arith.sitofp %sub3A_378 : vector<16xi32> to vector<16xf32>
      %mul3A_413 = arith.constant 0.693147182 : f32
      %mul3A_414 = vector.broadcast %mul3A_413 : f32 to vector<16xf32>
      %mul3A_415 = arith.mulf %convert_element_type3A_412, %mul3A_414 : vector<16xf32>
      %add3A_416 = arith.addf %mul3A_415, %mul3A_411 : vector<16xf32>
      %mul3A_417 = arith.mulf %convert_element_type3A_362, %convert_element_type3A_362 : vector<16xf32>
      %mul3A_418 = arith.mulf %sub3A_363, %sub3A_363 : vector<16xf32>
      %mul3A_419 = arith.mulf %mul3A_417, %add3A_416 : vector<16xf32>
      %add3A_420 = arith.addf %add3A_341, %mul3A_419 : vector<16xf32>
      %mul3A_421 = arith.mulf %mul3A_417, %mul3A_418 : vector<16xf32>
      %sub3A_422 = arith.subf %mul3A_418, %mul3A_421 : vector<16xf32>
      %add3A_423 = arith.addf %add3A_344, %sub3A_422 : vector<16xf32>
      %add3A_424 = arith.addf %add3A_345, %mul3A_417 : vector<16xf32>
      %scan3A_425 = arith.constant 2 : i32
      %scan3A_426 = arith.addi %scan3A_265, %scan3A_425 : i32
      %mul3A_427 = arith.constant 16 : i32
      %mul3A_428 = arith.muli %scan3A_426, %mul3A_427 : i32
      %multiple_of3A_429 = tpu.assume_multiple %mul3A_428, 16 : i32
      %get3A_430 = arith.index_cast %multiple_of3A_429 : i32 to index
      %get3A_431 = tpu.vector_load %arg14[%get3A_430] {strides = array<i32>} : memref<20000xf32, #tpu.memory_space<vmem>>, vector<16xf32>,
      %get3A_432 = vector.shape_cast %get3A_431 : vector<16xf32> to vector<16xf32>
      %add3A_433 = arith.constant 10000 : i32
      %add3A_434 = arith.addi %add3A_433, %multiple_of3A_429 : i32
      %get3A_435 = arith.index_cast %add3A_434 : i32 to index
      %get3A_436 = tpu.vector_load %arg14[%get3A_435] {strides = array<i32>} : memref<20000xf32, #tpu.memory_space<vmem>>, vector<16xf32>,
      %get3A_437 = vector.shape_cast %get3A_436 : vector<16xf32> to vector<16xf32>
      %get3A_438 = arith.index_cast %multiple_of3A_429 : i32 to index
      %get3A_439 = tpu.vector_load %arg13[%get3A_438] {strides = array<i32>} : memref<10000xi32, #tpu.memory_space<vmem>>, vector<16xi32>,
      %get3A_440 = vector.shape_cast %get3A_439 : vector<16xi32> to vector<16xi32>
      %convert_element_type3A_441 = arith.sitofp %get3A_440 : vector<16xi32> to vector<16xf32>
      %sub3A_442 = arith.subf %get3A_432, %get3A_437 : vector<16xf32>
      %neg3A_443 = arith.constant 0.000000e+00 : f32
      %neg3A_444 = vector.broadcast %neg3A_443 : f32 to vector<16xf32>
      %neg3A_445 = arith.subf %neg3A_444, %convert_element_type3A_441 : vector<16xf32>
      %mul3A_446 = arith.mulf %neg3A_445, %sub3A_442 : vector<16xf32>
      %exp3A_447 = math.exp %mul3A_446 : vector<16xf32>
      %add3A_448 = arith.constant 1.000000e+00 : f32
      %add3A_449 = vector.broadcast %add3A_448 : f32 to vector<16xf32>
      %add3A_450 = arith.addf %add3A_449, %exp3A_447 : vector<16xf32>
      %bitcast_convert_type3A_451 = tpu.bitcast %add3A_450 : vector<16xf32> -> vector<16xi32>
      %shift_right_arithmetic3A_452 = arith.constant 23 : i32
      %shift_right_arithmetic3A_453 = vector.broadcast %shift_right_arithmetic3A_452 : i32 to vector<16xi32>
      %shift_right_arithmetic3A_454 = arith.shrsi %bitcast_convert_type3A_451, %shift_right_arithmetic3A_453 : vector<16xi32>
      %sub3A_455 = arith.constant 127 : i32
      %sub3A_456 = vector.broadcast %sub3A_455 : i32 to vector<16xi32>
      %sub3A_457 = arith.subi %shift_right_arithmetic3A_454, %sub3A_456 : vector<16xi32>
      %and3A_458 = arith.constant 8388607 : i32
      %and3A_459 = vector.broadcast %and3A_458 : i32 to vector<16xi32>
      %and3A_460 = arith.andi %bitcast_convert_type3A_451, %and3A_459 : vector<16xi32>
      %or3A_461 = arith.constant 1065353216 : i32
      %or3A_462 = vector.broadcast %or3A_461 : i32 to vector<16xi32>
      %or3A_463 = arith.ori %and3A_460, %or3A_462 : vector<16xi32>
      %bitcast_convert_type3A_464 = tpu.bitcast %or3A_463 : vector<16xi32> -> vector<16xf32>
      %sub3A_465 = arith.constant 1.000000e+00 : f32
      %sub3A_466 = vector.broadcast %sub3A_465 : f32 to vector<16xf32>
      %sub3A_467 = arith.subf %bitcast_convert_type3A_464, %sub3A_466 : vector<16xf32>
      %add3A_468 = arith.constant 1.000000e+00 : f32
      %add3A_469 = vector.broadcast %add3A_468 : f32 to vector<16xf32>
      %add3A_470 = arith.addf %bitcast_convert_type3A_464, %add3A_469 : vector<16xf32>
      %div3A_471 = arith.divf %sub3A_467, %add3A_470 : vector<16xf32>
      %mul3A_472 = arith.mulf %div3A_471, %div3A_471 : vector<16xf32>
      %mul3A_473 = arith.constant 2.000000e+00 : f32
      %mul3A_474 = vector.broadcast %mul3A_473 : f32 to vector<16xf32>
      %mul3A_475 = arith.mulf %mul3A_474, %div3A_471 : vector<16xf32>
      %mul3A_476 = arith.constant 0.142857149 : f32
      %mul3A_477 = vector.broadcast %mul3A_476 : f32 to vector<16xf32>
      %mul3A_478 = arith.mulf %mul3A_472, %mul3A_477 : vector<16xf32>
      %add3A_479 = arith.constant 2.000000e-01 : f32
      %add3A_480 = vector.broadcast %add3A_479 : f32 to vector<16xf32>
      %add3A_481 = arith.addf %add3A_480, %mul3A_478 : vector<16xf32>
      %mul3A_482 = arith.mulf %mul3A_472, %add3A_481 : vector<16xf32>
      %add3A_483 = arith.constant 0.333333343 : f32
      %add3A_484 = vector.broadcast %add3A_483 : f32 to vector<16xf32>
      %add3A_485 = arith.addf %add3A_484, %mul3A_482 : vector<16xf32>
      %mul3A_486 = arith.mulf %mul3A_472, %add3A_485 : vector<16xf32>
      %add3A_487 = arith.constant 1.000000e+00 : f32
      %add3A_488 = vector.broadcast %add3A_487 : f32 to vector<16xf32>
      %add3A_489 = arith.addf %add3A_488, %mul3A_486 : vector<16xf32>
      %mul3A_490 = arith.mulf %mul3A_475, %add3A_489 : vector<16xf32>
      %convert_element_type3A_491 = arith.sitofp %sub3A_457 : vector<16xi32> to vector<16xf32>
      %mul3A_492 = arith.constant 0.693147182 : f32
      %mul3A_493 = vector.broadcast %mul3A_492 : f32 to vector<16xf32>
      %mul3A_494 = arith.mulf %convert_element_type3A_491, %mul3A_493 : vector<16xf32>
      %add3A_495 = arith.addf %mul3A_494, %mul3A_490 : vector<16xf32>
      %mul3A_496 = arith.mulf %convert_element_type3A_441, %convert_element_type3A_441 : vector<16xf32>
      %mul3A_497 = arith.mulf %sub3A_442, %sub3A_442 : vector<16xf32>
      %mul3A_498 = arith.mulf %mul3A_496, %add3A_495 : vector<16xf32>
      %add3A_499 = arith.addf %add3A_420, %mul3A_498 : vector<16xf32>
      %mul3A_500 = arith.mulf %mul3A_496, %mul3A_497 : vector<16xf32>
      %sub3A_501 = arith.subf %mul3A_497, %mul3A_500 : vector<16xf32>
      %add3A_502 = arith.addf %add3A_423, %sub3A_501 : vector<16xf32>
      %add3A_503 = arith.addf %add3A_424, %mul3A_496 : vector<16xf32>
      %scan3A_504 = arith.constant 3 : i32
      %scan3A_505 = arith.addi %scan3A_265, %scan3A_504 : i32
      %mul3A_506 = arith.constant 16 : i32
      %mul3A_507 = arith.muli %scan3A_505, %mul3A_506 : i32
      %multiple_of3A_508 = tpu.assume_multiple %mul3A_507, 16 : i32
      %get3A_509 = arith.index_cast %multiple_of3A_508 : i32 to index
      %get3A_510 = tpu.vector_load %arg14[%get3A_509] {strides = array<i32>} : memref<20000xf32, #tpu.memory_space<vmem>>, vector<16xf32>,
      %get3A_511 = vector.shape_cast %get3A_510 : vector<16xf32> to vector<16xf32>
      %add3A_512 = arith.constant 10000 : i32
      %add3A_513 = arith.addi %add3A_512, %multiple_of3A_508 : i32
      %get3A_514 = arith.index_cast %add3A_513 : i32 to index
      %get3A_515 = tpu.vector_load %arg14[%get3A_514] {strides = array<i32>} : memref<20000xf32, #tpu.memory_space<vmem>>, vector<16xf32>,
      %get3A_516 = vector.shape_cast %get3A_515 : vector<16xf32> to vector<16xf32>
      %get3A_517 = arith.index_cast %multiple_of3A_508 : i32 to index
      %get3A_518 = tpu.vector_load %arg13[%get3A_517] {strides = array<i32>} : memref<10000xi32, #tpu.memory_space<vmem>>, vector<16xi32>,
      %get3A_519 = vector.shape_cast %get3A_518 : vector<16xi32> to vector<16xi32>
      %convert_element_type3A_520 = arith.sitofp %get3A_519 : vector<16xi32> to vector<16xf32>
      %sub3A_521 = arith.subf %get3A_511, %get3A_516 : vector<16xf32>
      %neg3A_522 = arith.constant 0.000000e+00 : f32
      %neg3A_523 = vector.broadcast %neg3A_522 : f32 to vector<16xf32>
      %neg3A_524 = arith.subf %neg3A_523, %convert_element_type3A_520 : vector<16xf32>
      %mul3A_525 = arith.mulf %neg3A_524, %sub3A_521 : vector<16xf32>
      %exp3A_526 = math.exp %mul3A_525 : vector<16xf32>
      %add3A_527 = arith.constant 1.000000e+00 : f32
      %add3A_528 = vector.broadcast %add3A_527 : f32 to vector<16xf32>
      %add3A_529 = arith.addf %add3A_528, %exp3A_526 : vector<16xf32>
      %bitcast_convert_type3A_530 = tpu.bitcast %add3A_529 : vector<16xf32> -> vector<16xi32>
      %shift_right_arithmetic3A_531 = arith.constant 23 : i32
      %shift_right_arithmetic3A_532 = vector.broadcast %shift_right_arithmetic3A_531 : i32 to vector<16xi32>
      %shift_right_arithmetic3A_533 = arith.shrsi %bitcast_convert_type3A_530, %shift_right_arithmetic3A_532 : vector<16xi32>
      %sub3A_534 = arith.constant 127 : i32
      %sub3A_535 = vector.broadcast %sub3A_534 : i32 to vector<16xi32>
      %sub3A_536 = arith.subi %shift_right_arithmetic3A_533, %sub3A_535 : vector<16xi32>
      %and3A_537 = arith.constant 8388607 : i32
      %and3A_538 = vector.broadcast %and3A_537 : i32 to vector<16xi32>
      %and3A_539 = arith.andi %bitcast_convert_type3A_530, %and3A_538 : vector<16xi32>
      %or3A_540 = arith.constant 1065353216 : i32
      %or3A_541 = vector.broadcast %or3A_540 : i32 to vector<16xi32>
      %or3A_542 = arith.ori %and3A_539, %or3A_541 : vector<16xi32>
      %bitcast_convert_type3A_543 = tpu.bitcast %or3A_542 : vector<16xi32> -> vector<16xf32>
      %sub3A_544 = arith.constant 1.000000e+00 : f32
      %sub3A_545 = vector.broadcast %sub3A_544 : f32 to vector<16xf32>
      %sub3A_546 = arith.subf %bitcast_convert_type3A_543, %sub3A_545 : vector<16xf32>
      %add3A_547 = arith.constant 1.000000e+00 : f32
      %add3A_548 = vector.broadcast %add3A_547 : f32 to vector<16xf32>
      %add3A_549 = arith.addf %bitcast_convert_type3A_543, %add3A_548 : vector<16xf32>
      %div3A_550 = arith.divf %sub3A_546, %add3A_549 : vector<16xf32>
      %mul3A_551 = arith.mulf %div3A_550, %div3A_550 : vector<16xf32>
      %mul3A_552 = arith.constant 2.000000e+00 : f32
      %mul3A_553 = vector.broadcast %mul3A_552 : f32 to vector<16xf32>
      %mul3A_554 = arith.mulf %mul3A_553, %div3A_550 : vector<16xf32>
      %mul3A_555 = arith.constant 0.142857149 : f32
      %mul3A_556 = vector.broadcast %mul3A_555 : f32 to vector<16xf32>
      %mul3A_557 = arith.mulf %mul3A_551, %mul3A_556 : vector<16xf32>
      %add3A_558 = arith.constant 2.000000e-01 : f32
      %add3A_559 = vector.broadcast %add3A_558 : f32 to vector<16xf32>
      %add3A_560 = arith.addf %add3A_559, %mul3A_557 : vector<16xf32>
      %mul3A_561 = arith.mulf %mul3A_551, %add3A_560 : vector<16xf32>
      %add3A_562 = arith.constant 0.333333343 : f32
      %add3A_563 = vector.broadcast %add3A_562 : f32 to vector<16xf32>
      %add3A_564 = arith.addf %add3A_563, %mul3A_561 : vector<16xf32>
      %mul3A_565 = arith.mulf %mul3A_551, %add3A_564 : vector<16xf32>
      %add3A_566 = arith.constant 1.000000e+00 : f32
      %add3A_567 = vector.broadcast %add3A_566 : f32 to vector<16xf32>
      %add3A_568 = arith.addf %add3A_567, %mul3A_565 : vector<16xf32>
      %mul3A_569 = arith.mulf %mul3A_554, %add3A_568 : vector<16xf32>
      %convert_element_type3A_570 = arith.sitofp %sub3A_536 : vector<16xi32> to vector<16xf32>
      %mul3A_571 = arith.constant 0.693147182 : f32
      %mul3A_572 = vector.broadcast %mul3A_571 : f32 to vector<16xf32>
      %mul3A_573 = arith.mulf %convert_element_type3A_570, %mul3A_572 : vector<16xf32>
      %add3A_574 = arith.addf %mul3A_573, %mul3A_569 : vector<16xf32>
      %mul3A_575 = arith.mulf %convert_element_type3A_520, %convert_element_type3A_520 : vector<16xf32>
      %mul3A_576 = arith.mulf %sub3A_521, %sub3A_521 : vector<16xf32>
      %mul3A_577 = arith.mulf %mul3A_575, %add3A_574 : vector<16xf32>
      %add3A_578 = arith.addf %add3A_499, %mul3A_577 : vector<16xf32>
      %mul3A_579 = arith.mulf %mul3A_575, %mul3A_576 : vector<16xf32>
      %sub3A_580 = arith.subf %mul3A_576, %mul3A_579 : vector<16xf32>
      %add3A_581 = arith.addf %add3A_502, %sub3A_580 : vector<16xf32>
      %add3A_582 = arith.addf %add3A_503, %mul3A_575 : vector<16xf32>
      %scan3A_583 = arith.constant 4 : i32
      %scan3A_584 = arith.addi %scan3A_265, %scan3A_583 : i32
      %mul3A_585 = arith.constant 16 : i32
      %mul3A_586 = arith.muli %scan3A_584, %mul3A_585 : i32
      %multiple_of3A_587 = tpu.assume_multiple %mul3A_586, 16 : i32
      %get3A_588 = arith.index_cast %multiple_of3A_587 : i32 to index
      %get3A_589 = tpu.vector_load %arg14[%get3A_588] {strides = array<i32>} : memref<20000xf32, #tpu.memory_space<vmem>>, vector<16xf32>,
      %get3A_590 = vector.shape_cast %get3A_589 : vector<16xf32> to vector<16xf32>
      %add3A_591 = arith.constant 10000 : i32
      %add3A_592 = arith.addi %add3A_591, %multiple_of3A_587 : i32
      %get3A_593 = arith.index_cast %add3A_592 : i32 to index
      %get3A_594 = tpu.vector_load %arg14[%get3A_593] {strides = array<i32>} : memref<20000xf32, #tpu.memory_space<vmem>>, vector<16xf32>,
      %get3A_595 = vector.shape_cast %get3A_594 : vector<16xf32> to vector<16xf32>
      %get3A_596 = arith.index_cast %multiple_of3A_587 : i32 to index
      %get3A_597 = tpu.vector_load %arg13[%get3A_596] {strides = array<i32>} : memref<10000xi32, #tpu.memory_space<vmem>>, vector<16xi32>,
      %get3A_598 = vector.shape_cast %get3A_597 : vector<16xi32> to vector<16xi32>
      %convert_element_type3A_599 = arith.sitofp %get3A_598 : vector<16xi32> to vector<16xf32>
      %sub3A_600 = arith.subf %get3A_590, %get3A_595 : vector<16xf32>
      %neg3A_601 = arith.constant 0.000000e+00 : f32
      %neg3A_602 = vector.broadcast %neg3A_601 : f32 to vector<16xf32>
      %neg3A_603 = arith.subf %neg3A_602, %convert_element_type3A_599 : vector<16xf32>
      %mul3A_604 = arith.mulf %neg3A_603, %sub3A_600 : vector<16xf32>
      %exp3A_605 = math.exp %mul3A_604 : vector<16xf32>
      %add3A_606 = arith.constant 1.000000e+00 : f32
      %add3A_607 = vector.broadcast %add3A_606 : f32 to vector<16xf32>
      %add3A_608 = arith.addf %add3A_607, %exp3A_605 : vector<16xf32>
      %bitcast_convert_type3A_609 = tpu.bitcast %add3A_608 : vector<16xf32> -> vector<16xi32>
      %shift_right_arithmetic3A_610 = arith.constant 23 : i32
      %shift_right_arithmetic3A_611 = vector.broadcast %shift_right_arithmetic3A_610 : i32 to vector<16xi32>
      %shift_right_arithmetic3A_612 = arith.shrsi %bitcast_convert_type3A_609, %shift_right_arithmetic3A_611 : vector<16xi32>
      %sub3A_613 = arith.constant 127 : i32
      %sub3A_614 = vector.broadcast %sub3A_613 : i32 to vector<16xi32>
      %sub3A_615 = arith.subi %shift_right_arithmetic3A_612, %sub3A_614 : vector<16xi32>
      %and3A_616 = arith.constant 8388607 : i32
      %and3A_617 = vector.broadcast %and3A_616 : i32 to vector<16xi32>
      %and3A_618 = arith.andi %bitcast_convert_type3A_609, %and3A_617 : vector<16xi32>
      %or3A_619 = arith.constant 1065353216 : i32
      %or3A_620 = vector.broadcast %or3A_619 : i32 to vector<16xi32>
      %or3A_621 = arith.ori %and3A_618, %or3A_620 : vector<16xi32>
      %bitcast_convert_type3A_622 = tpu.bitcast %or3A_621 : vector<16xi32> -> vector<16xf32>
      %sub3A_623 = arith.constant 1.000000e+00 : f32
      %sub3A_624 = vector.broadcast %sub3A_623 : f32 to vector<16xf32>
      %sub3A_625 = arith.subf %bitcast_convert_type3A_622, %sub3A_624 : vector<16xf32>
      %add3A_626 = arith.constant 1.000000e+00 : f32
      %add3A_627 = vector.broadcast %add3A_626 : f32 to vector<16xf32>
      %add3A_628 = arith.addf %bitcast_convert_type3A_622, %add3A_627 : vector<16xf32>
      %div3A_629 = arith.divf %sub3A_625, %add3A_628 : vector<16xf32>
      %mul3A_630 = arith.mulf %div3A_629, %div3A_629 : vector<16xf32>
      %mul3A_631 = arith.constant 2.000000e+00 : f32
      %mul3A_632 = vector.broadcast %mul3A_631 : f32 to vector<16xf32>
      %mul3A_633 = arith.mulf %mul3A_632, %div3A_629 : vector<16xf32>
      %mul3A_634 = arith.constant 0.142857149 : f32
      %mul3A_635 = vector.broadcast %mul3A_634 : f32 to vector<16xf32>
      %mul3A_636 = arith.mulf %mul3A_630, %mul3A_635 : vector<16xf32>
      %add3A_637 = arith.constant 2.000000e-01 : f32
      %add3A_638 = vector.broadcast %add3A_637 : f32 to vector<16xf32>
      %add3A_639 = arith.addf %add3A_638, %mul3A_636 : vector<16xf32>
      %mul3A_640 = arith.mulf %mul3A_630, %add3A_639 : vector<16xf32>
      %add3A_641 = arith.constant 0.333333343 : f32
      %add3A_642 = vector.broadcast %add3A_641 : f32 to vector<16xf32>
      %add3A_643 = arith.addf %add3A_642, %mul3A_640 : vector<16xf32>
      %mul3A_644 = arith.mulf %mul3A_630, %add3A_643 : vector<16xf32>
      %add3A_645 = arith.constant 1.000000e+00 : f32
      %add3A_646 = vector.broadcast %add3A_645 : f32 to vector<16xf32>
      %add3A_647 = arith.addf %add3A_646, %mul3A_644 : vector<16xf32>
      %mul3A_648 = arith.mulf %mul3A_633, %add3A_647 : vector<16xf32>
      %convert_element_type3A_649 = arith.sitofp %sub3A_615 : vector<16xi32> to vector<16xf32>
      %mul3A_650 = arith.constant 0.693147182 : f32
      %mul3A_651 = vector.broadcast %mul3A_650 : f32 to vector<16xf32>
      %mul3A_652 = arith.mulf %convert_element_type3A_649, %mul3A_651 : vector<16xf32>
      %add3A_653 = arith.addf %mul3A_652, %mul3A_648 : vector<16xf32>
      %mul3A_654 = arith.mulf %convert_element_type3A_599, %convert_element_type3A_599 : vector<16xf32>
      %mul3A_655 = arith.mulf %sub3A_600, %sub3A_600 : vector<16xf32>
      %mul3A_656 = arith.mulf %mul3A_654, %add3A_653 : vector<16xf32>
      %add3A_657 = arith.addf %add3A_578, %mul3A_656 : vector<16xf32>
      %mul3A_658 = arith.mulf %mul3A_654, %mul3A_655 : vector<16xf32>
      %sub3A_659 = arith.subf %mul3A_655, %mul3A_658 : vector<16xf32>
      %add3A_660 = arith.addf %add3A_581, %sub3A_659 : vector<16xf32>
      %add3A_661 = arith.addf %add3A_582, %mul3A_654 : vector<16xf32>
      %scan3A_662 = arith.constant 5 : i32
      %scan3A_663 = arith.addi %scan3A_265, %scan3A_662 : i32
      %mul3A_664 = arith.constant 16 : i32
      %mul3A_665 = arith.muli %scan3A_663, %mul3A_664 : i32
      %multiple_of3A_666 = tpu.assume_multiple %mul3A_665, 16 : i32
      %get3A_667 = arith.index_cast %multiple_of3A_666 : i32 to index
      %get3A_668 = tpu.vector_load %arg14[%get3A_667] {strides = array<i32>} : memref<20000xf32, #tpu.memory_space<vmem>>, vector<16xf32>,
      %get3A_669 = vector.shape_cast %get3A_668 : vector<16xf32> to vector<16xf32>
      %add3A_670 = arith.constant 10000 : i32
      %add3A_671 = arith.addi %add3A_670, %multiple_of3A_666 : i32
      %get3A_672 = arith.index_cast %add3A_671 : i32 to index
      %get3A_673 = tpu.vector_load %arg14[%get3A_672] {strides = array<i32>} : memref<20000xf32, #tpu.memory_space<vmem>>, vector<16xf32>,
      %get3A_674 = vector.shape_cast %get3A_673 : vector<16xf32> to vector<16xf32>
      %get3A_675 = arith.index_cast %multiple_of3A_666 : i32 to index
      %get3A_676 = tpu.vector_load %arg13[%get3A_675] {strides = array<i32>} : memref<10000xi32, #tpu.memory_space<vmem>>, vector<16xi32>,
      %get3A_677 = vector.shape_cast %get3A_676 : vector<16xi32> to vector<16xi32>
      %convert_element_type3A_678 = arith.sitofp %get3A_677 : vector<16xi32> to vector<16xf32>
      %sub3A_679 = arith.subf %get3A_669, %get3A_674 : vector<16xf32>
      %neg3A_680 = arith.constant 0.000000e+00 : f32
      %neg3A_681 = vector.broadcast %neg3A_680 : f32 to vector<16xf32>
      %neg3A_682 = arith.subf %neg3A_681, %convert_element_type3A_678 : vector<16xf32>
      %mul3A_683 = arith.mulf %neg3A_682, %sub3A_679 : vector<16xf32>
      %exp3A_684 = math.exp %mul3A_683 : vector<16xf32>
      %add3A_685 = arith.constant 1.000000e+00 : f32
      %add3A_686 = vector.broadcast %add3A_685 : f32 to vector<16xf32>
      %add3A_687 = arith.addf %add3A_686, %exp3A_684 : vector<16xf32>
      %bitcast_convert_type3A_688 = tpu.bitcast %add3A_687 : vector<16xf32> -> vector<16xi32>
      %shift_right_arithmetic3A_689 = arith.constant 23 : i32
      %shift_right_arithmetic3A_690 = vector.broadcast %shift_right_arithmetic3A_689 : i32 to vector<16xi32>
      %shift_right_arithmetic3A_691 = arith.shrsi %bitcast_convert_type3A_688, %shift_right_arithmetic3A_690 : vector<16xi32>
      %sub3A_692 = arith.constant 127 : i32
      %sub3A_693 = vector.broadcast %sub3A_692 : i32 to vector<16xi32>
      %sub3A_694 = arith.subi %shift_right_arithmetic3A_691, %sub3A_693 : vector<16xi32>
      %and3A_695 = arith.constant 8388607 : i32
      %and3A_696 = vector.broadcast %and3A_695 : i32 to vector<16xi32>
      %and3A_697 = arith.andi %bitcast_convert_type3A_688, %and3A_696 : vector<16xi32>
      %or3A_698 = arith.constant 1065353216 : i32
      %or3A_699 = vector.broadcast %or3A_698 : i32 to vector<16xi32>
      %or3A_700 = arith.ori %and3A_697, %or3A_699 : vector<16xi32>
      %bitcast_convert_type3A_701 = tpu.bitcast %or3A_700 : vector<16xi32> -> vector<16xf32>
      %sub3A_702 = arith.constant 1.000000e+00 : f32
      %sub3A_703 = vector.broadcast %sub3A_702 : f32 to vector<16xf32>
      %sub3A_704 = arith.subf %bitcast_convert_type3A_701, %sub3A_703 : vector<16xf32>
      %add3A_705 = arith.constant 1.000000e+00 : f32
      %add3A_706 = vector.broadcast %add3A_705 : f32 to vector<16xf32>
      %add3A_707 = arith.addf %bitcast_convert_type3A_701, %add3A_706 : vector<16xf32>
      %div3A_708 = arith.divf %sub3A_704, %add3A_707 : vector<16xf32>
      %mul3A_709 = arith.mulf %div3A_708, %div3A_708 : vector<16xf32>
      %mul3A_710 = arith.constant 2.000000e+00 : f32
      %mul3A_711 = vector.broadcast %mul3A_710 : f32 to vector<16xf32>
      %mul3A_712 = arith.mulf %mul3A_711, %div3A_708 : vector<16xf32>
      %mul3A_713 = arith.constant 0.142857149 : f32
      %mul3A_714 = vector.broadcast %mul3A_713 : f32 to vector<16xf32>
      %mul3A_715 = arith.mulf %mul3A_709, %mul3A_714 : vector<16xf32>
      %add3A_716 = arith.constant 2.000000e-01 : f32
      %add3A_717 = vector.broadcast %add3A_716 : f32 to vector<16xf32>
      %add3A_718 = arith.addf %add3A_717, %mul3A_715 : vector<16xf32>
      %mul3A_719 = arith.mulf %mul3A_709, %add3A_718 : vector<16xf32>
      %add3A_720 = arith.constant 0.333333343 : f32
      %add3A_721 = vector.broadcast %add3A_720 : f32 to vector<16xf32>
      %add3A_722 = arith.addf %add3A_721, %mul3A_719 : vector<16xf32>
      %mul3A_723 = arith.mulf %mul3A_709, %add3A_722 : vector<16xf32>
      %add3A_724 = arith.constant 1.000000e+00 : f32
      %add3A_725 = vector.broadcast %add3A_724 : f32 to vector<16xf32>
      %add3A_726 = arith.addf %add3A_725, %mul3A_723 : vector<16xf32>
      %mul3A_727 = arith.mulf %mul3A_712, %add3A_726 : vector<16xf32>
      %convert_element_type3A_728 = arith.sitofp %sub3A_694 : vector<16xi32> to vector<16xf32>
      %mul3A_729 = arith.constant 0.693147182 : f32
      %mul3A_730 = vector.broadcast %mul3A_729 : f32 to vector<16xf32>
      %mul3A_731 = arith.mulf %convert_element_type3A_728, %mul3A_730 : vector<16xf32>
      %add3A_732 = arith.addf %mul3A_731, %mul3A_727 : vector<16xf32>
      %mul3A_733 = arith.mulf %convert_element_type3A_678, %convert_element_type3A_678 : vector<16xf32>
      %mul3A_734 = arith.mulf %sub3A_679, %sub3A_679 : vector<16xf32>
      %mul3A_735 = arith.mulf %mul3A_733, %add3A_732 : vector<16xf32>
      %add3A_736 = arith.addf %add3A_657, %mul3A_735 : vector<16xf32>
      %mul3A_737 = arith.mulf %mul3A_733, %mul3A_734 : vector<16xf32>
      %sub3A_738 = arith.subf %mul3A_734, %mul3A_737 : vector<16xf32>
      %add3A_739 = arith.addf %add3A_660, %sub3A_738 : vector<16xf32>
      %add3A_740 = arith.addf %add3A_661, %mul3A_733 : vector<16xf32>
      %scan3A_741 = arith.constant 6 : i32
      %scan3A_742 = arith.addi %scan3A_265, %scan3A_741 : i32
      %mul3A_743 = arith.constant 16 : i32
      %mul3A_744 = arith.muli %scan3A_742, %mul3A_743 : i32
      %multiple_of3A_745 = tpu.assume_multiple %mul3A_744, 16 : i32
      %get3A_746 = arith.index_cast %multiple_of3A_745 : i32 to index
      %get3A_747 = tpu.vector_load %arg14[%get3A_746] {strides = array<i32>} : memref<20000xf32, #tpu.memory_space<vmem>>, vector<16xf32>,
      %get3A_748 = vector.shape_cast %get3A_747 : vector<16xf32> to vector<16xf32>
      %add3A_749 = arith.constant 10000 : i32
      %add3A_750 = arith.addi %add3A_749, %multiple_of3A_745 : i32
      %get3A_751 = arith.index_cast %add3A_750 : i32 to index
      %get3A_752 = tpu.vector_load %arg14[%get3A_751] {strides = array<i32>} : memref<20000xf32, #tpu.memory_space<vmem>>, vector<16xf32>,
      %get3A_753 = vector.shape_cast %get3A_752 : vector<16xf32> to vector<16xf32>
      %get3A_754 = arith.index_cast %multiple_of3A_745 : i32 to index
      %get3A_755 = tpu.vector_load %arg13[%get3A_754] {strides = array<i32>} : memref<10000xi32, #tpu.memory_space<vmem>>, vector<16xi32>,
      %get3A_756 = vector.shape_cast %get3A_755 : vector<16xi32> to vector<16xi32>
      %convert_element_type3A_757 = arith.sitofp %get3A_756 : vector<16xi32> to vector<16xf32>
      %sub3A_758 = arith.subf %get3A_748, %get3A_753 : vector<16xf32>
      %neg3A_759 = arith.constant 0.000000e+00 : f32
      %neg3A_760 = vector.broadcast %neg3A_759 : f32 to vector<16xf32>
      %neg3A_761 = arith.subf %neg3A_760, %convert_element_type3A_757 : vector<16xf32>
      %mul3A_762 = arith.mulf %neg3A_761, %sub3A_758 : vector<16xf32>
      %exp3A_763 = math.exp %mul3A_762 : vector<16xf32>
      %add3A_764 = arith.constant 1.000000e+00 : f32
      %add3A_765 = vector.broadcast %add3A_764 : f32 to vector<16xf32>
      %add3A_766 = arith.addf %add3A_765, %exp3A_763 : vector<16xf32>
      %bitcast_convert_type3A_767 = tpu.bitcast %add3A_766 : vector<16xf32> -> vector<16xi32>
      %shift_right_arithmetic3A_768 = arith.constant 23 : i32
      %shift_right_arithmetic3A_769 = vector.broadcast %shift_right_arithmetic3A_768 : i32 to vector<16xi32>
      %shift_right_arithmetic3A_770 = arith.shrsi %bitcast_convert_type3A_767, %shift_right_arithmetic3A_769 : vector<16xi32>
      %sub3A_771 = arith.constant 127 : i32
      %sub3A_772 = vector.broadcast %sub3A_771 : i32 to vector<16xi32>
      %sub3A_773 = arith.subi %shift_right_arithmetic3A_770, %sub3A_772 : vector<16xi32>
      %and3A_774 = arith.constant 8388607 : i32
      %and3A_775 = vector.broadcast %and3A_774 : i32 to vector<16xi32>
      %and3A_776 = arith.andi %bitcast_convert_type3A_767, %and3A_775 : vector<16xi32>
      %or3A_777 = arith.constant 1065353216 : i32
      %or3A_778 = vector.broadcast %or3A_777 : i32 to vector<16xi32>
      %or3A_779 = arith.ori %and3A_776, %or3A_778 : vector<16xi32>
      %bitcast_convert_type3A_780 = tpu.bitcast %or3A_779 : vector<16xi32> -> vector<16xf32>
      %sub3A_781 = arith.constant 1.000000e+00 : f32
      %sub3A_782 = vector.broadcast %sub3A_781 : f32 to vector<16xf32>
      %sub3A_783 = arith.subf %bitcast_convert_type3A_780, %sub3A_782 : vector<16xf32>
      %add3A_784 = arith.constant 1.000000e+00 : f32
      %add3A_785 = vector.broadcast %add3A_784 : f32 to vector<16xf32>
      %add3A_786 = arith.addf %bitcast_convert_type3A_780, %add3A_785 : vector<16xf32>
      %div3A_787 = arith.divf %sub3A_783, %add3A_786 : vector<16xf32>
      %mul3A_788 = arith.mulf %div3A_787, %div3A_787 : vector<16xf32>
      %mul3A_789 = arith.constant 2.000000e+00 : f32
      %mul3A_790 = vector.broadcast %mul3A_789 : f32 to vector<16xf32>
      %mul3A_791 = arith.mulf %mul3A_790, %div3A_787 : vector<16xf32>
      %mul3A_792 = arith.constant 0.142857149 : f32
      %mul3A_793 = vector.broadcast %mul3A_792 : f32 to vector<16xf32>
      %mul3A_794 = arith.mulf %mul3A_788, %mul3A_793 : vector<16xf32>
      %add3A_795 = arith.constant 2.000000e-01 : f32
      %add3A_796 = vector.broadcast %add3A_795 : f32 to vector<16xf32>
      %add3A_797 = arith.addf %add3A_796, %mul3A_794 : vector<16xf32>
      %mul3A_798 = arith.mulf %mul3A_788, %add3A_797 : vector<16xf32>
      %add3A_799 = arith.constant 0.333333343 : f32
      %add3A_800 = vector.broadcast %add3A_799 : f32 to vector<16xf32>
      %add3A_801 = arith.addf %add3A_800, %mul3A_798 : vector<16xf32>
      %mul3A_802 = arith.mulf %mul3A_788, %add3A_801 : vector<16xf32>
      %add3A_803 = arith.constant 1.000000e+00 : f32
      %add3A_804 = vector.broadcast %add3A_803 : f32 to vector<16xf32>
      %add3A_805 = arith.addf %add3A_804, %mul3A_802 : vector<16xf32>
      %mul3A_806 = arith.mulf %mul3A_791, %add3A_805 : vector<16xf32>
      %convert_element_type3A_807 = arith.sitofp %sub3A_773 : vector<16xi32> to vector<16xf32>
      %mul3A_808 = arith.constant 0.693147182 : f32
      %mul3A_809 = vector.broadcast %mul3A_808 : f32 to vector<16xf32>
      %mul3A_810 = arith.mulf %convert_element_type3A_807, %mul3A_809 : vector<16xf32>
      %add3A_811 = arith.addf %mul3A_810, %mul3A_806 : vector<16xf32>
      %mul3A_812 = arith.mulf %convert_element_type3A_757, %convert_element_type3A_757 : vector<16xf32>
      %mul3A_813 = arith.mulf %sub3A_758, %sub3A_758 : vector<16xf32>
      %mul3A_814 = arith.mulf %mul3A_812, %add3A_811 : vector<16xf32>
      %add3A_815 = arith.addf %add3A_736, %mul3A_814 : vector<16xf32>
      %mul3A_816 = arith.mulf %mul3A_812, %mul3A_813 : vector<16xf32>
      %sub3A_817 = arith.subf %mul3A_813, %mul3A_816 : vector<16xf32>
      %add3A_818 = arith.addf %add3A_739, %sub3A_817 : vector<16xf32>
      %add3A_819 = arith.addf %add3A_740, %mul3A_812 : vector<16xf32>
      %scan3A_820 = arith.constant 7 : i32
      %scan3A_821 = arith.addi %scan3A_265, %scan3A_820 : i32
      %mul3A_822 = arith.constant 16 : i32
      %mul3A_823 = arith.muli %scan3A_821, %mul3A_822 : i32
      %multiple_of3A_824 = tpu.assume_multiple %mul3A_823, 16 : i32
      %get3A_825 = arith.index_cast %multiple_of3A_824 : i32 to index
      %get3A_826 = tpu.vector_load %arg14[%get3A_825] {strides = array<i32>} : memref<20000xf32, #tpu.memory_space<vmem>>, vector<16xf32>,
      %get3A_827 = vector.shape_cast %get3A_826 : vector<16xf32> to vector<16xf32>
      %add3A_828 = arith.constant 10000 : i32
      %add3A_829 = arith.addi %add3A_828, %multiple_of3A_824 : i32
      %get3A_830 = arith.index_cast %add3A_829 : i32 to index
      %get3A_831 = tpu.vector_load %arg14[%get3A_830] {strides = array<i32>} : memref<20000xf32, #tpu.memory_space<vmem>>, vector<16xf32>,
      %get3A_832 = vector.shape_cast %get3A_831 : vector<16xf32> to vector<16xf32>
      %get3A_833 = arith.index_cast %multiple_of3A_824 : i32 to index
      %get3A_834 = tpu.vector_load %arg13[%get3A_833] {strides = array<i32>} : memref<10000xi32, #tpu.memory_space<vmem>>, vector<16xi32>,
      %get3A_835 = vector.shape_cast %get3A_834 : vector<16xi32> to vector<16xi32>
      %convert_element_type3A_836 = arith.sitofp %get3A_835 : vector<16xi32> to vector<16xf32>
      %sub3A_837 = arith.subf %get3A_827, %get3A_832 : vector<16xf32>
      %neg3A_838 = arith.constant 0.000000e+00 : f32
      %neg3A_839 = vector.broadcast %neg3A_838 : f32 to vector<16xf32>
      %neg3A_840 = arith.subf %neg3A_839, %convert_element_type3A_836 : vector<16xf32>
      %mul3A_841 = arith.mulf %neg3A_840, %sub3A_837 : vector<16xf32>
      %exp3A_842 = math.exp %mul3A_841 : vector<16xf32>
      %add3A_843 = arith.constant 1.000000e+00 : f32
      %add3A_844 = vector.broadcast %add3A_843 : f32 to vector<16xf32>
      %add3A_845 = arith.addf %add3A_844, %exp3A_842 : vector<16xf32>
      %bitcast_convert_type3A_846 = tpu.bitcast %add3A_845 : vector<16xf32> -> vector<16xi32>
      %shift_right_arithmetic3A_847 = arith.constant 23 : i32
      %shift_right_arithmetic3A_848 = vector.broadcast %shift_right_arithmetic3A_847 : i32 to vector<16xi32>
      %shift_right_arithmetic3A_849 = arith.shrsi %bitcast_convert_type3A_846, %shift_right_arithmetic3A_848 : vector<16xi32>
      %sub3A_850 = arith.constant 127 : i32
      %sub3A_851 = vector.broadcast %sub3A_850 : i32 to vector<16xi32>
      %sub3A_852 = arith.subi %shift_right_arithmetic3A_849, %sub3A_851 : vector<16xi32>
      %and3A_853 = arith.constant 8388607 : i32
      %and3A_854 = vector.broadcast %and3A_853 : i32 to vector<16xi32>
      %and3A_855 = arith.andi %bitcast_convert_type3A_846, %and3A_854 : vector<16xi32>
      %or3A_856 = arith.constant 1065353216 : i32
      %or3A_857 = vector.broadcast %or3A_856 : i32 to vector<16xi32>
      %or3A_858 = arith.ori %and3A_855, %or3A_857 : vector<16xi32>
      %bitcast_convert_type3A_859 = tpu.bitcast %or3A_858 : vector<16xi32> -> vector<16xf32>
      %sub3A_860 = arith.constant 1.000000e+00 : f32
      %sub3A_861 = vector.broadcast %sub3A_860 : f32 to vector<16xf32>
      %sub3A_862 = arith.subf %bitcast_convert_type3A_859, %sub3A_861 : vector<16xf32>
      %add3A_863 = arith.constant 1.000000e+00 : f32
      %add3A_864 = vector.broadcast %add3A_863 : f32 to vector<16xf32>
      %add3A_865 = arith.addf %bitcast_convert_type3A_859, %add3A_864 : vector<16xf32>
      %div3A_866 = arith.divf %sub3A_862, %add3A_865 : vector<16xf32>
      %mul3A_867 = arith.mulf %div3A_866, %div3A_866 : vector<16xf32>
      %mul3A_868 = arith.constant 2.000000e+00 : f32
      %mul3A_869 = vector.broadcast %mul3A_868 : f32 to vector<16xf32>
      %mul3A_870 = arith.mulf %mul3A_869, %div3A_866 : vector<16xf32>
      %mul3A_871 = arith.constant 0.142857149 : f32
      %mul3A_872 = vector.broadcast %mul3A_871 : f32 to vector<16xf32>
      %mul3A_873 = arith.mulf %mul3A_867, %mul3A_872 : vector<16xf32>
      %add3A_874 = arith.constant 2.000000e-01 : f32
      %add3A_875 = vector.broadcast %add3A_874 : f32 to vector<16xf32>
      %add3A_876 = arith.addf %add3A_875, %mul3A_873 : vector<16xf32>
      %mul3A_877 = arith.mulf %mul3A_867, %add3A_876 : vector<16xf32>
      %add3A_878 = arith.constant 0.333333343 : f32
      %add3A_879 = vector.broadcast %add3A_878 : f32 to vector<16xf32>
      %add3A_880 = arith.addf %add3A_879, %mul3A_877 : vector<16xf32>
      %mul3A_881 = arith.mulf %mul3A_867, %add3A_880 : vector<16xf32>
      %add3A_882 = arith.constant 1.000000e+00 : f32
      %add3A_883 = vector.broadcast %add3A_882 : f32 to vector<16xf32>
      %add3A_884 = arith.addf %add3A_883, %mul3A_881 : vector<16xf32>
      %mul3A_885 = arith.mulf %mul3A_870, %add3A_884 : vector<16xf32>
      %convert_element_type3A_886 = arith.sitofp %sub3A_852 : vector<16xi32> to vector<16xf32>
      %mul3A_887 = arith.constant 0.693147182 : f32
      %mul3A_888 = vector.broadcast %mul3A_887 : f32 to vector<16xf32>
      %mul3A_889 = arith.mulf %convert_element_type3A_886, %mul3A_888 : vector<16xf32>
      %add3A_890 = arith.addf %mul3A_889, %mul3A_885 : vector<16xf32>
      %mul3A_891 = arith.mulf %convert_element_type3A_836, %convert_element_type3A_836 : vector<16xf32>
      %mul3A_892 = arith.mulf %sub3A_837, %sub3A_837 : vector<16xf32>
      %mul3A_893 = arith.mulf %mul3A_891, %add3A_890 : vector<16xf32>
      %add3A_894 = arith.addf %add3A_815, %mul3A_893 : vector<16xf32>
      %mul3A_895 = arith.mulf %mul3A_891, %mul3A_892 : vector<16xf32>
      %sub3A_896 = arith.subf %mul3A_892, %mul3A_895 : vector<16xf32>
      %add3A_897 = arith.addf %add3A_818, %sub3A_896 : vector<16xf32>
      %add3A_898 = arith.addf %add3A_819, %mul3A_891 : vector<16xf32>
      scf.yield %add3A_894, %add3A_897, %add3A_898 : vector<16xf32>, vector<16xf32>, vector<16xf32>
    }
    %scan3A_180 = arith.constant 624 : i32
    %scan3A_181 = arith.addi %scan3A_175, %scan3A_180 : i32
    %mul3A_182 = arith.constant 16 : i32
    %mul3A_183 = arith.muli %scan3A_181, %mul3A_182 : i32
    %multiple_of3A_184 = tpu.assume_multiple %mul3A_183, 16 : i32
    %get3A_185 = arith.index_cast %multiple_of3A_184 : i32 to index
    %get3A_186 = tpu.vector_load %arg14[%get3A_185] {strides = array<i32>} : memref<20000xf32, #tpu.memory_space<vmem>>, vector<16xf32>,
    %get3A_187 = vector.shape_cast %get3A_186 : vector<16xf32> to vector<16xf32>
    %add3A_188 = arith.constant 10000 : i32
    %add3A_189 = arith.addi %add3A_188, %multiple_of3A_184 : i32
    %get3A_190 = arith.index_cast %add3A_189 : i32 to index
    %get3A_191 = tpu.vector_load %arg14[%get3A_190] {strides = array<i32>} : memref<20000xf32, #tpu.memory_space<vmem>>, vector<16xf32>,
    %get3A_192 = vector.shape_cast %get3A_191 : vector<16xf32> to vector<16xf32>
    %get3A_193 = arith.index_cast %multiple_of3A_184 : i32 to index
    %get3A_194 = tpu.vector_load %arg13[%get3A_193] {strides = array<i32>} : memref<10000xi32, #tpu.memory_space<vmem>>, vector<16xi32>,
    %get3A_195 = vector.shape_cast %get3A_194 : vector<16xi32> to vector<16xi32>
    %convert_element_type3A = arith.sitofp %get3A_195 : vector<16xi32> to vector<16xf32>
    %sub3A_196 = arith.subf %get3A_187, %get3A_192 : vector<16xf32>
    %neg3A = arith.constant 0.000000e+00 : f32
    %neg3A_197 = vector.broadcast %neg3A : f32 to vector<16xf32>
    %neg3A_198 = arith.subf %neg3A_197, %convert_element_type3A : vector<16xf32>
    %mul3A_199 = arith.mulf %neg3A_198, %sub3A_196 : vector<16xf32>
    %exp3A = math.exp %mul3A_199 : vector<16xf32>
    %add3A_200 = arith.constant 1.000000e+00 : f32
    %add3A_201 = vector.broadcast %add3A_200 : f32 to vector<16xf32>
    %add3A_202 = arith.addf %add3A_201, %exp3A : vector<16xf32>
    %bitcast_convert_type3A = tpu.bitcast %add3A_202 : vector<16xf32> -> vector<16xi32>
    %shift_right_arithmetic3A = arith.constant 23 : i32
    %shift_right_arithmetic3A_203 = vector.broadcast %shift_right_arithmetic3A : i32 to vector<16xi32>
    %shift_right_arithmetic3A_204 = arith.shrsi %bitcast_convert_type3A, %shift_right_arithmetic3A_203 : vector<16xi32>
    %sub3A_205 = arith.constant 127 : i32
    %sub3A_206 = vector.broadcast %sub3A_205 : i32 to vector<16xi32>
    %sub3A_207 = arith.subi %shift_right_arithmetic3A_204, %sub3A_206 : vector<16xi32>
    %and3A_208 = arith.constant 8388607 : i32
    %and3A_209 = vector.broadcast %and3A_208 : i32 to vector<16xi32>
    %and3A_210 = arith.andi %bitcast_convert_type3A, %and3A_209 : vector<16xi32>
    %or3A = arith.constant 1065353216 : i32
    %or3A_211 = vector.broadcast %or3A : i32 to vector<16xi32>
    %or3A_212 = arith.ori %and3A_210, %or3A_211 : vector<16xi32>
    %bitcast_convert_type3A_213 = tpu.bitcast %or3A_212 : vector<16xi32> -> vector<16xf32>
    %sub3A_214 = arith.constant 1.000000e+00 : f32
    %sub3A_215 = vector.broadcast %sub3A_214 : f32 to vector<16xf32>
    %sub3A_216 = arith.subf %bitcast_convert_type3A_213, %sub3A_215 : vector<16xf32>
    %add3A_217 = arith.constant 1.000000e+00 : f32
    %add3A_218 = vector.broadcast %add3A_217 : f32 to vector<16xf32>
    %add3A_219 = arith.addf %bitcast_convert_type3A_213, %add3A_218 : vector<16xf32>
    %div3A_220 = arith.divf %sub3A_216, %add3A_219 : vector<16xf32>
    %mul3A_221 = arith.mulf %div3A_220, %div3A_220 : vector<16xf32>
    %mul3A_222 = arith.constant 2.000000e+00 : f32
    %mul3A_223 = vector.broadcast %mul3A_222 : f32 to vector<16xf32>
    %mul3A_224 = arith.mulf %mul3A_223, %div3A_220 : vector<16xf32>
    %mul3A_225 = arith.constant 0.142857149 : f32
    %mul3A_226 = vector.broadcast %mul3A_225 : f32 to vector<16xf32>
    %mul3A_227 = arith.mulf %mul3A_221, %mul3A_226 : vector<16xf32>
    %add3A_228 = arith.constant 2.000000e-01 : f32
    %add3A_229 = vector.broadcast %add3A_228 : f32 to vector<16xf32>
    %add3A_230 = arith.addf %add3A_229, %mul3A_227 : vector<16xf32>
    %mul3A_231 = arith.mulf %mul3A_221, %add3A_230 : vector<16xf32>
    %add3A_232 = arith.constant 0.333333343 : f32
    %add3A_233 = vector.broadcast %add3A_232 : f32 to vector<16xf32>
    %add3A_234 = arith.addf %add3A_233, %mul3A_231 : vector<16xf32>
    %mul3A_235 = arith.mulf %mul3A_221, %add3A_234 : vector<16xf32>
    %add3A_236 = arith.constant 1.000000e+00 : f32
    %add3A_237 = vector.broadcast %add3A_236 : f32 to vector<16xf32>
    %add3A_238 = arith.addf %add3A_237, %mul3A_235 : vector<16xf32>
    %mul3A_239 = arith.mulf %mul3A_224, %add3A_238 : vector<16xf32>
    %convert_element_type3A_240 = arith.sitofp %sub3A_207 : vector<16xi32> to vector<16xf32>
    %mul3A_241 = arith.constant 0.693147182 : f32
    %mul3A_242 = vector.broadcast %mul3A_241 : f32 to vector<16xf32>
    %mul3A_243 = arith.mulf %convert_element_type3A_240, %mul3A_242 : vector<16xf32>
    %add3A_244 = arith.addf %mul3A_243, %mul3A_239 : vector<16xf32>
    %mul3A_245 = arith.mulf %convert_element_type3A, %convert_element_type3A : vector<16xf32>
    %mul3A_246 = arith.mulf %sub3A_196, %sub3A_196 : vector<16xf32>
    %mul3A_247 = arith.mulf %mul3A_245, %add3A_244 : vector<16xf32>
    %add3A_248 = arith.addf %scan3A_179#0, %mul3A_247 : vector<16xf32>
    %mul3A_249 = arith.mulf %mul3A_245, %mul3A_246 : vector<16xf32>
    %sub3A_250 = arith.subf %mul3A_246, %mul3A_249 : vector<16xf32>
    %add3A_251 = arith.addf %scan3A_179#1, %sub3A_250 : vector<16xf32>
    %add3A_252 = arith.addf %scan3A_179#2, %mul3A_245 : vector<16xf32>
    %scan3A_253 = arith.constant 625 : i32
    %swap3A = arith.constant 0 : index
    %swap3A_254 = tpu.vector_load %arg15[%swap3A] {strides = array<i32>} : memref<48xf32, #tpu.memory_space<vmem>>, vector<16xf32>,
    %swap3A_255 = vector.shape_cast %swap3A_254 : vector<16xf32> to vector<16xf32>
    %swap3A_256 = vector.shape_cast %add3A_248 : vector<16xf32> to vector<16xf32>
    tpu.vector_store %arg15[%swap3A], %swap3A_256 {strides = array<i32>} : memref<48xf32, #tpu.memory_space<vmem>>, vector<16xf32>,
    %swap3A_257 = arith.constant 16 : index
    %swap3A_258 = tpu.vector_load %arg15[%swap3A_257] {strides = array<i32>} : memref<48xf32, #tpu.memory_space<vmem>>, vector<16xf32>,
    %swap3A_259 = vector.shape_cast %swap3A_258 : vector<16xf32> to vector<16xf32>
    %swap3A_260 = vector.shape_cast %add3A_251 : vector<16xf32> to vector<16xf32>
    tpu.vector_store %arg15[%swap3A_257], %swap3A_260 {strides = array<i32>} : memref<48xf32, #tpu.memory_space<vmem>>, vector<16xf32>,
    %swap3A_261 = arith.constant 32 : index
    %swap3A_262 = tpu.vector_load %arg15[%swap3A_261] {strides = array<i32>} : memref<48xf32, #tpu.memory_space<vmem>>, vector<16xf32>,
    %swap3A_263 = vector.shape_cast %swap3A_262 : vector<16xf32> to vector<16xf32>
    %swap3A_264 = vector.shape_cast %add3A_252 : vector<16xf32> to vector<16xf32>
    tpu.vector_store %arg15[%swap3A_261], %swap3A_264 {strides = array<i32>} : memref<48xf32, #tpu.memory_space<vmem>>, vector<16xf32>,
    "tpu.region"() ({
      %run_scoped3A = tpu.sem_alloc : memref<!tpu.dma_semaphore, #tpu.memory_space<semaphore_mem>>
      %dma_start3A_265 = arith.constant 0 : i32
      %dma_start3A_266 = tpu.memref_slice %arg8[%add3A, %dma_start3A_265] : memref<32x48xf32, #tpu.memory_space<hbm>> -> memref<1x48xf32, #tpu.memory_space<hbm>>
      %dma_start3A_267 = tpu.memref_squeeze %dma_start3A_266 : memref<1x48xf32, #tpu.memory_space<hbm>> -> memref<48xf32, #tpu.memory_space<hbm>>
      %dma_start3A_268 = arith.constant 0 : i32
      %dma_start3A_269 = tpu.memref_slice %arg8[%add3A, %dma_start3A_268] : memref<32x48xf32, #tpu.memory_space<hbm>> -> memref<1x48xf32, #tpu.memory_space<hbm>>
      %dma_start3A_270 = tpu.memref_squeeze %dma_start3A_269 : memref<1x48xf32, #tpu.memory_space<hbm>> -> memref<48xf32, #tpu.memory_space<hbm>>
      tpu.enqueue_dma source(%arg15 : memref<48xf32, #tpu.memory_space<vmem>>) target(%dma_start3A_270 : memref<48xf32, #tpu.memory_space<hbm>>) target_semaphore(%run_scoped3A : memref<!tpu.dma_semaphore, #tpu.memory_space<semaphore_mem>>)
      %dma_wait3A_271 = arith.constant 0 : i32
      %dma_wait3A_272 = tpu.memref_slice %arg8[%add3A, %dma_wait3A_271] : memref<32x48xf32, #tpu.memory_space<hbm>> -> memref<1x48xf32, #tpu.memory_space<hbm>>
      %dma_wait3A_273 = tpu.memref_squeeze %dma_wait3A_272 : memref<1x48xf32, #tpu.memory_space<hbm>> -> memref<48xf32, #tpu.memory_space<hbm>>
      %dma_wait3A_274 = arith.constant 0 : i32
      %dma_wait3A_275 = tpu.memref_slice %arg8[%add3A, %dma_wait3A_274] : memref<32x48xf32, #tpu.memory_space<hbm>> -> memref<1x48xf32, #tpu.memory_space<hbm>>
      %dma_wait3A_276 = tpu.memref_squeeze %dma_wait3A_275 : memref<1x48xf32, #tpu.memory_space<hbm>> -> memref<48xf32, #tpu.memory_space<hbm>>
      tpu.wait_dma2 semaphore(%run_scoped3A : memref<!tpu.dma_semaphore, #tpu.memory_space<semaphore_mem>>) src(%arg15 : memref<48xf32, #tpu.memory_space<vmem>>) dst(%dma_wait3A_276 : memref<48xf32, #tpu.memory_space<hbm>>)
      tpu.yield
    }) : () -> ()
    return
  }
}

</mosaic_0001>

<sc_bundles>
// kernel: kernel.3.cloned.1.call-start
scs
__scs_entry_jumppad:
0x0: {  	(pc) =	sbr.rel $0x88, $3  }
0x1: {  	(tag) =	ssettag $0x0;
	lr =	simm.s32 $0x1  }
0x2: {  	[smem:$0x3F9B] =	sst lr;
	_ =	strace $0xD0000000  }
0x3: {  	_ = 	snop  }
0x4: {  	_ = 	snop  }
0x5: {  	_ = 	snop  }
0x6: {  	_ = 	snop  }
0x7: {  	_ = 	snop  }
__scs_overlays_trampoline_lowered:
0x8: {  	[smem:$0x3FAA] =	sst s0  }
0x9: {  	[smem:$0x3FAB] =	sst s1  }
0xa: {  	[smem:$0x3FAC] =	sst s2  }
0xb: {  	[smem:$0x3FAD] =	sst s3  }
0xc: {  	[smem:$0x3FAE] =	sst s4  }
0xd: {  	[smem:$0x3FAF] =	sst s5  }
0xe: {  	[smem:$0x3FB0] =	sst s6  }
0xf: {  	[smem:$0x3FB1] =	sst s7  }
0x10: {  	[smem:$0x3FB2] =	sst s8  }
0x11: {  	[smem:$0x3FB3] =	sst s9;
	s0 =	simm.s32 @!p0 $0x0  }
0x12: {  	s1 =	sld [smem:$0x3F99];
	s0 =	simm.s32 @p0 $0x1  }
0x13: {  	[smem:$0x3FB4] =	sst s0;
	s0 =	simm.s32 @!p1 $0x0  }
0x14: {  	s2 =	sld [smem:$0x3F98];
	s0 =	simm.s32 @p1 $0x1  }
0x15: {  	[smem:$0x3FB5] =	sst s0;
	s0 =	simm.s32 @!p2 $0x0  }
0x16: {  	s3 =	sld [smem:$0x3FDB];
	s0 =	simm.s32 @p2 $0x1  }
0x17: {  	s4 =	simm.s32 $0x1BF5;
	[smem:$0x3FB7] =	sst s0  }
0x18: {  	s0 =	sld [smem:$0x3F9A];
	_ =	swait.ge [sflag:s4], $0x0  }
0x19: {  	s7 =	sld [smem:$0x3F9B]  }
0x1a: {  	s8 =	sadd.s32 $0xFFFFE003, lr  }
0x1b: {  	s9 =	sadd.s32 $0xFFFFFEF7, lr;
	s5 =	simm.s32 $0xFFFFFFFF;
	p2 =	slt.u32 s8, $0xFFFFF086  }
0x1c: {  	p1 =	slt.u32 s9, $0xF7A;
	s5 =	simm.s32 @!p2 $0x0  }
0x1d: {  	s5 =	simm.s32 @p1 $0x1;
	p0 =	seq.s32 s7, s2  }
0x1e: {  	s7 =	smul.u32 @!p0 $0xF7A, s2;
	p2 =	seq.s32 @!p0 s5, $0x0  }
0x1f: {  	s9 =	smul.u32 $0xF7A, s1;
	s8 =	simm.s32 @!p0 $0x1BF5;
	p2 =	por !p2, p0  }
0x20: {  	[sflag:s8] =	ssyncset.s32 @!p0 $0xFFFFF086;
	s6 =	sadd.s32 @!p0 s3, s7;
	s7 =	simm.s32 @!p0 $0x108  }
0x21: {  	s3 =	sadd.s32 s3, s9;
	s6 =	sadd.s32 @!p0 $0x88, s6;
	s7 =	simm.s32 @p2 $0x1082  }
0x22: {  	[simem:s7], [sflag:s8] =	dma.local @!p0 [hbm:s6], $0xF7A  }
0x23: {  	s9 =	sor.u32 $0xD0000000, s2;
	s6 =	simm.s32 $0x108;
	_ =	swait.ge @!p0 [sflag:s8], $0x0  }
0x24: {  	s3 =	sadd.s32 $0x88, s3;
	s6 =	simm.s32 @!p1 $0x1082;
	[sflag:s4] =	ssyncset.s32 $0xFFFFF086  }
0x25: {  	[simem:s6], [sflag:s4] =	dma.local [hbm:s3], $0xF7A  }
0x26: {  	[smem:$0x3F9B] =	sst s1;
	(tag) =	ssettag s2;
	_ =	strace s9  }
0x27: {  	s1 =	sld [smem:$0x3FAB]  }
0x28: {  	s2 =	sld [smem:$0x3FAC]  }
0x29: {  	s4 =	sld [smem:$0x3FAE]  }
0x2a: {  	p0 =	seq.s32 s5, $0x0;
	s5 =	sld [smem:$0x3FAF]  }
0x2b: {  	s6 =	sld [smem:$0x3FB0]  }
0x2c: {  	s7 =	sld [smem:$0x3FB1]  }
0x2d: {  	s3 =	simm.s32 $0x108;
	s8 =	sld [smem:$0x3FB2]  }
0x2e: {  	s3 =	simm.s32 @!p0 $0x1082;
	s9 =	sld [smem:$0x3FB3]  }
0x2f: {  	lr =	sadd.s32 s0, s3;
	s0 =	sld [smem:$0x3FAA]  }
0x30: {  	s3 =	sld [smem:$0x3FAD]  }
0x31: {  	[smem:$0x3FB6] =	sst s10  }
0x32: {  	s10 =	sld [smem:$0x3FB4];
	_ =	sdelay $0x3  }
0x33: {  	p0 =	seq.s32 s10, $0x1;
	s10 =	sld [smem:$0x3FB6];
	_ =	sdelay $0x3  }
0x34: {  	[smem:$0x3FB6] =	sst s10  }
0x35: {  	s10 =	sld [smem:$0x3FB5];
	_ =	sdelay $0x3  }
0x36: {  	p1 =	seq.s32 s10, $0x1;
	s10 =	sld [smem:$0x3FB6];
	_ =	sdelay $0x3  }
0x37: {  	[smem:$0x3FB6] =	sst s10  }
0x38: {  	s10 =	sld [smem:$0x3FB7]  }
0x39: {  	_ = 	snop;
	(pc) =	sbr.ind lr, $3  }
0x3a: {  	_ = 	snop  }
0x3b: {  	_ = 	snop  }
0x3c: {  	p2 =	seq.s32 s10, $0x1;
	s10 =	sld [smem:$0x3FB6]  }
0x3d: {  	_ =	shalt  }
0x3e: {  	_ =	shalt  }
0x3f: {  	_ =	shalt  }
0x40: {  	_ =	shalt  }
0x41: {  	_ =	shalt  }
0x42: {  	_ =	shalt  }
0x43: {  	_ =	shalt  }
0x44: {  	_ =	shalt  }
0x45: {  	_ =	shalt  }
0x46: {  	_ =	shalt  }
0x47: {  	_ =	shalt  }
0x48: {  	_ =	shalt  }
0x49: {  	_ =	shalt  }
0x4a: {  	_ =	shalt  }
0x4b: {  	_ =	shalt  }
0x4c: {  	_ =	shalt  }
0x4d: {  	_ =	shalt  }
0x4e: {  	_ =	shalt  }
0x4f: {  	_ =	shalt  }
0x50: {  	_ =	shalt  }
0x51: {  	_ =	shalt  }
0x52: {  	_ =	shalt  }
0x53: {  	_ =	shalt  }
0x54: {  	_ =	shalt  }
0x55: {  	_ =	shalt  }
0x56: {  	_ =	shalt  }
0x57: {  	_ =	shalt  }
0x58: {  	_ =	shalt  }
0x59: {  	_ =	shalt  }
0x5a: {  	_ =	shalt  }
0x5b: {  	_ =	shalt  }
0x5c: {  	_ =	shalt  }
0x5d: {  	_ =	shalt  }
0x5e: {  	_ =	shalt  }
0x5f: {  	_ =	shalt  }
0x60: {  	_ =	shalt  }
0x61: {  	_ =	shalt  }
0x62: {  	_ =	shalt  }
0x63: {  	_ =	shalt  }
0x64: {  	_ =	shalt  }
0x65: {  	_ =	shalt  }
0x66: {  	_ =	shalt  }
0x67: {  	_ =	shalt  }
0x68: {  	_ =	shalt  }
0x69: {  	_ =	shalt  }
0x6a: {  	_ =	shalt  }
0x6b: {  	_ =	shalt  }
0x6c: {  	_ =	shalt  }
0x6d: {  	_ =	shalt  }
0x6e: {  	_ =	shalt  }
0x6f: {  	_ =	shalt  }
0x70: {  	_ =	shalt  }
0x71: {  	_ =	shalt  }
0x72: {  	_ =	shalt  }
0x73: {  	_ =	shalt  }
0x74: {  	_ =	shalt  }
0x75: {  	_ =	shalt  }
0x76: {  	_ =	shalt  }
0x77: {  	_ =	shalt  }
0x78: {  	_ =	shalt  }
0x79: {  	_ =	shalt  }
0x7a: {  	_ =	shalt  }
0x7b: {  	_ =	shalt  }
0x7c: {  	_ =	shalt  }
0x7d: {  	_ =	shalt  }
0x7e: {  	_ =	shalt  }
0x7f: {  	_ =	shalt  }
0x80: {  	_ =	shalt  }
0x81: {  	_ =	shalt  }
0x82: {  	_ =	shalt  }
0x83: {  	_ =	shalt  }
0x84: {  	_ =	shalt  }
0x85: {  	_ =	shalt  }
0x86: {  	_ =	shalt  }
0x87: {  	_ =	shalt  }
.Lfunc_end0:
.L_simem_size_0:
called_computation_lowered:
.L_overlay_start_0:
0x88: {  	s2 =	sld [smem:$0x3FD9]  }
0x89: {  	s3 =	sld [smem:$0x3FFE];
	_ =	sdelay $0x1  }
0x8a: {  	s1 =	srdreg.scid  }
0x8b: {  	s0 =	sand.u32 $0x1, s1  }
0x8c: {  	s17 =	sshll.u32 s0, $0xA;
	s2 =	sadd.s32 s3, s2  }
0x8d: {  	s2 =	sadd.s32 s2, s17  }
0x8e: {  	[smem:$0x3FC2] =	sst s2  }
0x8f: {  	_ = 	snop  }
0x90: {  	s2 =	sld [smem:$0x3FC9];
	(tm) =	ssettm $0x1  }
0x91: {  	s18 =	sld [smem:$0x3FFB];
	_ =	sdelay $0x3  }
0x92: {  	_ =	strace s18  }
0x93: {  	s3 =	sld [smem:$0x3FFC];
	_ =	sdelay $0x3  }
0x94: {  	_ =	strace s3  }
0x95: {  	s3 =	sld [smem:$0x3FFD];
	_ =	sdelay $0x3  }
0x96: {  	_ =	strace s3  }
0x97: {  	_ =	strace $0x8FFFFFFF  }
0x98: {  	s19 =	sld [smem:$0x3FDB];
	_ =	sdelay $0x1  }
0x99: {  	s4 =	simm.s32 $_scs_section_size  }
0x9a: {  	s5 =	simm.s32 $_size__tile_overlayer_lowered;
	s6 =	simm.s32 $_tile_overlayer_lowered  }
0x9b: {  	s22 =	simm.s32 $0x1BFF;
	s21 =	sshll.u32 s6, $0x1;
	s3 =	sadd.s32 s4, s19  }
0x9c: {  	s7 =	simm.s32 $0x0;
	s20 =	sshll.u32 s5, $0x1;
	s5 =	sadd.s32 s21, s3  }
0x9d: {  	[timem:s7], [sflag:s22] =	dma.local [hbm:s5], s20  }
0x9e: {  	_ =	swait.ge [sflag:s22], s20  }
0x9f: {  	s4 =	ssub.s32 $0x0, s20;
	[sflag:s22] =	ssyncset.done $0x0  }
0xa0: {  	[sflag:s22] =	ssyncadd.s32 s4;
	_ =	sdelay $0x1  }
0xa1: {  	s23 =	simm.s32 $0x1B8B  }
0xa2: {  	_ =	swait.ge [sflag:s23], $0x1  }
0xa3: {  	[sflag:s23] =	ssyncset.done $0x0  }
0xa4: {  	s25 =	simm.s32 $0x1B8E;
	s24 =	sld [smem:$0x3FFE];
	[sflag:s23] =	ssyncadd.s32 $0xFFFFFFFF  }
0xa5: {  	s26 =	simm.s32 $execute0_lowered;
	[smem:$0x3FD2] =	sst s25  }
0xa6: {  	s5 =	sshll.u32 s26, $0x1;
	_ =	strace $0x80000046;
	[dreg:$0x1] =	wrdreg $0xFFFFFFFF  }
0xa7: {  	s28 =	simm.s32 $_size_execute0_lowered;
	s3 =	sadd.s32 s3, s5;
	[dreg:$0x0] =	wrdreg $0x0  }
0xa8: {  	s5 =	sshll.u32 s28, $0x1;
	[dreg:$0x2] =	wrdreg s3  }
0xa9: {  	[dreg:$0x3] =	wrdreg s5  }
0xaa: {  	[dreg:$0x4] =	wrdreg $0xC0  }
0xab: {  	_ =	task [dreg:s7], $0x5FFFF  }
0xac: {  	[dreg:$0x1] =	wrdreg $0xFFFFFFFF  }
0xad: {  	[dreg:$0x0] =	wrdreg $0x60  }
0xae: {  	[dreg:$0x2] =	wrdreg s2  }
0xaf: {  	[dreg:$0x3] =	wrdreg s24  }
0xb0: {  	[dreg:$0x4] =	wrdreg $0x9  }
0xb1: {  	_ =	task.clear_ibuf [dreg:s7], $0x5FFFF;
	_ =	strace $0x90000046  }
0xb2: {  	s29 =	simm.s32 $0x9;
	_ =	strace $0x80000048  }
0xb3: {  	_ =	swait.ge [sflag:s29], $0x1  }
0xb4: {  	[sflag:s29] =	ssyncadd.s32 $0xFFFFFFFF  }
0xb5: {  	_ =	strace $0x90000048  }
0xb6: {  	_ =	sfence  }
0xb7: {  	s30 =	sld [smem:$0x0];
	_ =	sdelay $0x2  }
0xb8: {  	s31 =	sshll.u32 s1, $0xD;
	s1 =	sshrl.u32 s1, $0x2  }
0xb9: {  	s3 =	sand.u32 $0x4000, s31;
	s1 =	sadd.s32 s1, s30  }
0xba: {  	s0 =	sor.u32 s3, s0;
	s1 =	sshll.u32 s1, $0x11  }
0xbb: {  	s0 =	sor.u32 s1, s0  }
0xbc: {  	s0 =	sadd.s32 $0x8F2B, s0  }
0xbd: {  	[sflag:s0] =	ssyncadd.remote.s32 $0x1  }
0xbe: {  	_ =	sfence.sel $0xFFFF  }
0xbf: {  	[dreg:$0x0] =	wrdreg $0xFFFFFFFF;
	(pc) =	sbr.abs _section_cstart, $3  }
0xc0: {  	[dreg:$0x1] =	wrdreg $0xFFFFFFFF  }
0xc1: {  	_ =	task.clear_ibuf [dreg:s7], $0x2FFFF;
	_ =	strace $0x9FFFFFFF  }
0xc2: {  	(tm) =	ssettm $0x7FFFFFFF  }
0xc3: {  	_ =	shalt  }
tec
execute0_lowered:
.L_overlay_start_1:
0x0: {  	(tag) =	ssettag $0x1  }
0x1: {  	s2 =	rddreg [dreg:$0x0]  }
0x2: {  	s4 =	rddreg [dreg:$0x1]  }
0x3: {  	s0 =	rddreg [dreg:$0x2];
	s5 =	srdreg.scid  }
0x4: {  	s1 =	stileid.u32;
	s3 =	simm.s32 $0x0;
	s8 =	simm.s32 $0x1  }
0x5: {  	s12 =	simm.s32 $0x2780;
	s13 =	simm.s32 $0x4F00;
	s14 =	simm.s32 $0x7680  }
0x6: {  	s15 =	simm.s32 $0xEC80;
	s16 =	simm.s32 $0x11390;
	s17 =	simm.s32 $0x9E00  }
0x7: {  	s18 =	simm.s32 $0x2;
	s20 =	simm.s32 $0x3;
	s21 =	simm.s32 $0x0  }
0x8: {  	s5 =	sand.u32 $0x1, s5;
	s6 =	sshll.u32 s1, $0x1;
	[smem:$0x7FF] =	sst s3  }
0x9: {  	s6 =	sor.u32 s5, s6;
	_ =	strace $0x80000047;
	p1 =	seq.s32 s5, $0x1  }
0xa: {  	s5 =	ssub.s32 $0x2, s5;
	p0 =	seq.s32 s6, $0x0;
	s7 =	sshll.u32 s6, $0x4  }
0xb: {  	s6 =	smul.u32 $0x4E2, s6;
	s30 =	sshrl.u32 s5, $0x1;
	p0 =	por !p0, !p1  }
0xc: {  	s10 =	sadd.s32 s7, s4;
	s11 =	ssub.s32 s5, s30;
	p0 =	por !p0, !p0  }
0xd: {  	s5 =	simm.s32 $0x1;
	s4 =	sadd.s32 s4, s6;
	s8 =	simm.s32 @!p0 $0x0  }
0xe: {  	s10 =	sadd.s32 $0x31600, s10;
	s11 =	smax.u32 s11, $0x1;
	s31 =	ssub.s32 s1, s8  }
0xf: {  	s6 =	sadd.s32 $0x9E00, s4;
	s7 =	sadd.s32 $0x13C00, s4;
	s19 =	sshll.u32 s31, $0x12  }
0x10: {  	vm0 =	vmmov $0xffff;
	s9 =	sadd.s32 $0x27800, s4;
	s8 =	sadd.s32 $0x1DA00, s4;
	v0 =	vmov s19;
	s19 =	simm.s32 $0x11400  }
.LBB2_1:
0x11: {  	[tilespmem:s3], [sflag:$0x1] =	stream.linear.gather [hbm4b:s4+s3], $0x2710, $0x38;
	[tilespmem:$0x11480] =	vst v63  }
0x12: {  	_ = 	snop  }
0x13: {  	[tilespmem:s12], [sflag:$0x1] =	stream.linear.gather [hbm4b:s6+s3], $0x2710, $0x38;
	[tilespmem:$0x11480] =	vst v63  }
0x14: {  	_ = 	snop  }
0x15: {  	[tilespmem:s13], [sflag:$0x1] =	stream.linear.gather [hbm4b:s7+s3], $0x2710, $0x38;
	[tilespmem:$0x11480] =	vst v63  }
0x16: {  	_ = 	snop  }
0x17: {  	[tilespmem:s14], [sflag:$0x1] =	stream.linear.gather [hbm4b:s8+s3], $0x2710, $0x38;
	[tilespmem:$0x11480] =	vst v63  }
0x18: {  	_ =	swait.ge [sflag:s5], $0x2710  }
0x19: {  	[sflag:s5] =	ssyncset.done $0x0  }
0x1a: {  	[sflag:s5] =	ssyncadd.s32 $0xFFFFD8F0  }
0x1b: {  	_ =	swait.ge [sflag:s5], $0x2710  }
0x1c: {  	[sflag:s5] =	ssyncset.done $0x0  }
0x1d: {  	[sflag:s5] =	ssyncadd.s32 $0xFFFFD8F0  }
0x1e: {  	_ =	swait.ge [sflag:s5], $0x2710  }
0x1f: {  	[sflag:s5] =	ssyncset.done $0x0  }
0x20: {  	[sflag:s5] =	ssyncadd.s32 $0xFFFFD8F0  }
0x21: {  	_ =	swait.ge [sflag:s5], $0x2710  }
0x22: {  	[sflag:s5] =	ssyncset.done $0x0  }
0x23: {  	s22 =	simm.s32 $0xFFFFFFFE;
	s23 =	simm.s32 $0x0;
	[sflag:s5] =	ssyncadd.s32 $0xFFFFD8F0  }
.LBB2_2:
0x24: {  	s24 =	sshra.s32 s23, $0x2  }
0x25: {  	v1 =	vld [tilespmem:s24+$0x0];
	_ =	sdelay $0x1  }
0x26: {  	v2 =	vld [tilespmem:s24+$0x2780]  }
0x27: {  	v3 =	vld [tilespmem:s24+$0x4F00];
	_ =	sdelay $0x1  }
0x28: {  	v4 =	vld [tilespmem:s24+$0x7680];
	v5 =	vand.u32 $0x7, v1  }
0x29: {  	v1 =	vshll.u32 v1, $0x9;
	v5 =	vmul.u32 $0xFFFFFE80, v5  }
0x2a: {  	v6 =	vshll.u32 v2, $0x3;
	v2 =	vand.u32 $0x7F, v2;
	v1 =	vadd.s32 v0, v1  }
0x2b: {  	v59 =	vand.u32 $0x7, v3;
	v2 =	vmul.u32 $0xFFFFFFF9, v2;
	v1 =	vadd.s32 v5, v1  }
0x2c: {  	v3 =	vshll.u32 v3, $0x9;
	v5 =	vmul.u32 $0xFFFFFE80, v59;
	v1 =	vadd.s32 v6, v1  }
0x2d: {  	v3 =	vadd.s32 v0, v3;
	v1 =	vadd.s32 v2, v1;
	v2 =	vand.u32 $0x7F, v4  }
0x2e: {  	v4 =	vshll.u32 v4, $0x3;
	v3 =	vadd.s32 v5, v3;
	v2 =	vmul.u32 $0xFFFFFFF9, v2  }
0x2f: {  	v3 =	vadd.s32 v4, v3  }
0x30: {  	v2 =	vadd.s32 v2, v3;
	_ =	sdelay $0x1  }
0x31: {  	s25 =	sadd.s32 $0xC580, s24  }
0x32: {  	[tilespmem:s25], [sflag:$0x1] =	stream.indirect_vreg.gather [hbm4b:s2+s3], $0x1, v1, vm0, $0xb8;
	[tilespmem:$0x11480] =	vst v63  }
0x33: {  	s30 =	sadd.s32 $0xEC90, s24  }
0x34: {  	[tilespmem:s30], [sflag:$0x1] =	stream.indirect_vreg.gather [hbm4b:s2+s3], $0x1, v2, vm0, $0xb8;
	[tilespmem:$0x11480] =	vst v63  }
0x35: {  	v1 =	vld [tilespmem:s24+$0x10];
	_ =	sdelay $0x1  }
0x36: {  	v2 =	vld [tilespmem:s24+$0x2790]  }
0x37: {  	v3 =	vld [tilespmem:s24+$0x4F10];
	_ =	sdelay $0x1  }
0x38: {  	v60 =	vld [tilespmem:s24+$0x7690];
	v61 =	vand.u32 $0x7, v1  }
0x39: {  	v1 =	vshll.u32 v1, $0x9;
	v5 =	vmul.u32 $0xFFFFFE80, v61  }
0x3a: {  	v62 =	vshll.u32 v2, $0x3;
	v2 =	vand.u32 $0x7F, v2;
	v1 =	vadd.s32 v0, v1  }
0x3b: {  	v63 =	vand.u32 $0x7, v3;
	v2 =	vmul.u32 $0xFFFFFFF9, v2;
	v1 =	vadd.s32 v5, v1  }
0x3c: {  	v3 =	vshll.u32 v3, $0x9;
	v5 =	vmul.u32 $0xFFFFFE80, v63;
	v1 =	vadd.s32 v62, v1  }
0x3d: {  	v3 =	vadd.s32 v0, v3;
	v1 =	vadd.s32 v2, v1;
	v2 =	vand.u32 $0x7F, v60  }
0x3e: {  	v4 =	vshll.u32 v60, $0x3;
	v3 =	vadd.s32 v5, v3;
	v2 =	vmul.u32 $0xFFFFFFF9, v2  }
0x3f: {  	s22 =	sadd.s32 $0x2, s22;
	v3 =	vadd.s32 v4, v3  }
0x40: {  	p0 =	slt.u32 s22, $0x26E;
	v2 =	vadd.s32 v2, v3  }
.Ltmp0:
0x41: {  	_ = 	snop;
	(pc) =	sbr.rel @p0 .LBB2_2-.Ltmp0, $4  }
0x42: {  	s31 =	sadd.s32 $0xC590, s24  }
0x43: {  	[tilespmem:s31], [sflag:$0x1] =	stream.indirect_vreg.gather [hbm4b:s2+s3], $0x1, v1, vm0, $0xb8;
	[tilespmem:$0x11480] =	vst v63  }
0x44: {  	s23 =	sadd.s32 $0x80, s23;
	s24 =	sadd.s32 $0xECA0, s24  }
0x45: {  	[tilespmem:s24], [sflag:$0x1] =	stream.indirect_vreg.gather [hbm4b:s2+s3], $0x1, v2, vm0, $0xb8;
	[tilespmem:$0x11480] =	vst v63  }
0x46: {  	v1 =	vld [tilespmem:$0x2700];
	_ =	sdelay $0x1  }
0x47: {  	v2 =	vld [tilespmem:$0x4E80]  }
0x48: {  	v3 =	vld [tilespmem:$0x7600];
	_ =	sdelay $0x1  }
0x49: {  	v4 =	vld [tilespmem:$0x9D80];
	v5 =	vand.u32 $0x7, v1  }
0x4a: {  	v1 =	vshll.u32 v1, $0x9;
	v5 =	vmul.u32 $0xFFFFFE80, v5  }
0x4b: {  	v6 =	vshll.u32 v2, $0x3;
	v2 =	vand.u32 $0x7F, v2;
	v1 =	vadd.s32 v0, v1  }
0x4c: {  	v2 =	vmul.u32 $0xFFFFFFF9, v2;
	v1 =	vadd.s32 v5, v1;
	v5 =	vand.u32 $0x7, v3  }
0x4d: {  	v3 =	vshll.u32 v3, $0x9;
	v1 =	vadd.s32 v6, v1;
	v5 =	vmul.u32 $0xFFFFFE80, v5  }
0x4e: {  	v3 =	vadd.s32 v0, v3;
	v1 =	vadd.s32 v2, v1;
	v2 =	vand.u32 $0x7F, v4  }
0x4f: {  	v4 =	vshll.u32 v4, $0x3;
	v2 =	vmul.u32 $0xFFFFFFF9, v2;
	v3 =	vadd.s32 v5, v3  }
0x50: {  	v3 =	vadd.s32 v4, v3  }
0x51: {  	v2 =	vadd.s32 v2, v3;
	_ =	sdelay $0x2  }
0x52: {  	[tilespmem:s15], [sflag:$0x1] =	stream.indirect_vreg.gather [hbm4b:s2+s3], $0x1, v1, vm0, $0xb8;
	[tilespmem:$0x11480] =	vst v63  }
0x53: {  	_ = 	snop  }
0x54: {  	[tilespmem:s16], [sflag:$0x1] =	stream.indirect_vreg.gather [hbm4b:s2+s3], $0x1, v2, vm0, $0xb8;
	[tilespmem:$0x11480] =	vst v63  }
0x55: {  	_ = 	snop  }
0x56: {  	[tilespmem:s17], [sflag:$0x2] =	stream.linear.gather [hbm4b:s9+s3], $0x2710, $0x38;
	[tilespmem:$0x11480] =	vst v63  }
0x57: {  	_ =	swait.ge [sflag:s5], $0x2710  }
0x58: {  	[sflag:s5] =	ssyncset.done $0x0  }
0x59: {  	[sflag:s5] =	ssyncadd.s32 $0xFFFFD8F0  }
0x5a: {  	_ =	swait.ge [sflag:s5], $0x2710  }
0x5b: {  	[sflag:s5] =	ssyncset.done $0x0  }
0x5c: {  	[sflag:s5] =	ssyncadd.s32 $0xFFFFD8F0  }
0x5d: {  	_ =	swait.ge [sflag:s18], $0x2710  }
0x5e: {  	[sflag:s18] =	ssyncset.done $0x0  }
0x5f: {  	s23 =	simm.s32 $0xED00;
	[sflag:s18] =	ssyncadd.s32 $0xFFFFD8F0  }
0x60: {  	v1 =	vld [tilespmem:s23+$0xFFFFD8F0]  }
0x61: {  	v2 =	vld [tilespmem:s23+$0x0]  }
0x62: {  	v3 =	vld [tilespmem:s23+$0xFFFFD8E0]  }
0x63: {  	s22 =	simm.s32 $0x9E40;
	v4 =	vld [tilespmem:s23+$0xFFFFFFF0]  }
0x64: {  	v5 =	vld [tilespmem:s22+$0x30]  }
0x65: {  	v6 =	vld [tilespmem:s23+$0xFFFFD8D0]  }
0x66: {  	v7 =	vld [tilespmem:s23+$0xFFFFFFE0]  }
0x67: {  	v8 =	vld [tilespmem:s22+$0x20]  }
0x68: {  	v9 =	vld [tilespmem:s23+$0xFFFFD8C0]  }
0x69: {  	v10 =	vld [tilespmem:s23+$0xFFFFFFD0]  }
0x6a: {  	v11 =	vld [tilespmem:s22+$0x10]  }
0x6b: {  	v12 =	vld [tilespmem:s23+$0xFFFFD8B0]  }
0x6c: {  	v13 =	vld [tilespmem:s23+$0xFFFFFFC0]  }
0x6d: {  	v14 =	vld [tilespmem:s22+$0x0]  }
0x6e: {  	v15 =	vld [tilespmem:s23+$0xFFFFD8A0]  }
0x6f: {  	v16 =	vld [tilespmem:s23+$0xFFFFFFB0]  }
0x70: {  	v17 =	vld [tilespmem:s22+$0xFFFFFFF0]  }
0x71: {  	v18 =	vld [tilespmem:s23+$0xFFFFD890]  }
0x72: {  	v22 =	vld [tilespmem:s22+$0xFFFFFFD0]  }
0x73: {  	v20 =	vld [tilespmem:s22+$0xFFFFFFE0]  }
0x74: {  	v19 =	vld [tilespmem:s23+$0xFFFFFFA0];
	v23 =	vsub.f32 v1, v2;
	v6 =	vsub.f32 v6, v7  }
0x75: {  	v21 =	vld [tilespmem:s23+$0xFFFFD880];
	v5 =	vcvt.s32.f32 v5;
	v9 =	vsub.f32 v9, v10;
	v10 =	vcvt.s32.f32 v11  }
0x76: {  	v1 =	vld [tilespmem:s22+$0xFFFFFFC0];
	v7 =	vsub.f32 v3, v4;
	v8 =	vcvt.s32.f32 v8;
	v11 =	vcvt.s32.f32 v17  }
0x77: {  	v2 =	vld [tilespmem:s23+$0xFFFFFF90];
	v12 =	vsub.f32 v12, v13;
	v13 =	vcvt.s32.f32 v14;
	v14 =	vcvt.s32.f32 v22  }
0x78: {  	v17 =	vcvt.s32.f32 v20;
	v15 =	vsub.f32 v15, v16;
	v3 =	vmul.f32 v23, v23  }
0x79: {  	v4 =	vmul.f32 v10, v10;
	v10 =	vsub.f32 $0.0e+00, v10;
	v24 =	vsub.f32 $0.0e+00, v11  }
0x7a: {  	v18 =	vsub.f32 v18, v19;
	v20 =	vmul.f32 v7, v7;
	v22 =	vmul.f32 v6, v6  }
0x7b: {  	v25 =	vsub.f32 $0.0e+00, v13;
	v6 =	vmul.f32 v10, v6;
	v24 =	vmul.f32 v24, v12  }
0x7c: {  	v16 =	vcvt.s32.f32 v1;
	v1 =	vmul.f32 v5, v5;
	v19 =	vsub.f32 v21, v2  }
0x7d: {  	v2 =	vmul.f32 v8, v8;
	v21 =	vsub.f32 $0.0e+00, v5;
	v8 =	vsub.f32 $0.0e+00, v8  }
0x7e: {  	v5 =	vmul.f32 v13, v13;
	v13 =	vsub.f32 $0.0e+00, v17;
	v6 =	vmul.f32 $1.442695020e+00, v6  }
0x7f: {  	v7 =	vmul.f32 v8, v7;
	v8 =	vmul.f32 v21, v23;
	v21 =	vsub.f32 $0.0e+00, v14  }
0x80: {  	v23 =	vmul.f32 v25, v9;
	v10 =	vsub.f32 $0.0e+00, v16;
	v13 =	vmul.f32 v13, v15  }
0x81: {  	v9 =	vmul.f32 v9, v9;
	v21 =	vmul.f32 v21, v18  }
0x82: {  	v8 =	vmul.f32 $1.442695020e+00, v8;
	v10 =	vmul.f32 v10, v19  }
0x83: {  	v7 =	vmul.f32 $1.442695020e+00, v7;
	v18 =	vmul.f32 v18, v18  }
0x84: {  	(erf) = vpow2.f32 v8;
	v8 =	vmul.f32 $1.442695020e+00, v23  }
0x85: {  	(erf) = vpow2.f32 v7;
	v7 =	vmul.f32 $1.442695020e+00, v24  }
0x86: {  	(erf) = vpow2.f32 v6;
	v6 =	vmul.f32 $1.442695020e+00, v13  }
0x87: {  	v13 =	vmul.f32 v14, v14;
	v14 =	vmul.f32 v16, v16  }
0x88: {  	(erf) = vpow2.f32 v8;
	v8 =	vmul.f32 $1.442695020e+00, v21  }
0x89: {  	v21 =	vmul.f32 v4, v22;
	(erf) = vpow2.f32 v7  }
0x8a: {  	v7 =	vmul.f32 $1.442695020e+00, v10;
	v10 =	vmul.f32 v17, v17  }
0x8b: {  	v17 =	vmul.f32 v12, v12;
	v12 =	vmul.f32 v15, v15  }
0x8c: {  	(erf) = vpow2.f32 v6;
	v6 =	vmul.f32 v2, v20  }
0x8d: {  	(erf) = vpow2.f32 v8;
	v8 =	vmul.f32 v11, v11  }
0x8e: {  	v11 =	vmul.f32 v5, v9;
	v24 =	vmul.f32 v10, v12  }
0x8f: {  	(erf) = vpow2.f32 v7;
	v7 =	vimm.f32 $0.0e+00;
	v6 =	vsub.f32 v20, v6;
	v15 =	vpop (erf)  }
0x90: {  	v12 =	vsub.f32 v12, v24;
	v24 =	vmul.f32 v19, v19;
	v23 =	vpop (erf);
	v15 =	vadd.f32 $1.000000000e+00, v15  }
0x91: {  	v25 =	vmul.f32 v8, v17;
	v11 =	vsub.f32 v9, v11;
	v9 =	vsub.f32 v22, v21;
	v26 =	vpop (erf)  }
0x92: {  	v28 =	vmul.f32 v14, v24;
	v16 =	vadd.f32 $1.000000000e+00, v23;
	v20 =	vpop (erf);
	v31 =	vshra.s32 v15, $0x17  }
0x93: {  	v15 =	vand.u32 $0x7FFFFF, v15;
	v19 =	vadd.f32 $1.000000000e+00, v20;
	v20 =	vadd.f32 $1.000000000e+00, v26  }
0x94: {  	v21 =	vpop (erf);
	v26 =	vmul.f32 v13, v18;
	v30 =	vshra.s32 v16, $0x17;
	v16 =	vand.u32 $0x7FFFFF, v16  }
0x95: {  	v31 =	vadd.s32 $0xFFFFFF81, v31;
	v37 =	vor.u32 $0x3F800000, v15;
	v21 =	vadd.f32 $1.000000000e+00, v21  }
0x96: {  	v22 =	vpop (erf);
	v30 =	vadd.s32 $0xFFFFFF81, v30;
	v16 =	vor.u32 $0x3F800000, v16;
	v15 =	vadd.f32 $1.000000000e+00, v37  }
0x97: {  	v49 =	vadd.f32 $-1.000000000e+00, v37;
	v22 =	vadd.f32 $1.000000000e+00, v22;
	v29 =	vshra.s32 v20, $0x17  }
0x98: {  	v23 =	vpop (erf);
	v34 =	vshra.s32 v19, $0x17;
	v19 =	vand.u32 $0x7FFFFF, v19;
	v20 =	vand.u32 $0x7FFFFF, v20  }
0x99: {  	v23 =	vadd.f32 $1.000000000e+00, v23;
	v33 =	vshra.s32 v21, $0x17;
	v21 =	vand.u32 $0x7FFFFF, v21  }
0x9a: {  	v34 =	vadd.s32 $0xFFFFFF81, v34;
	v29 =	vadd.s32 $0xFFFFFF81, v29;
	v38 =	vor.u32 $0x3F800000, v19  }
0x9b: {  	v27 =	vpop (erf);
	v39 =	vor.u32 $0x3F800000, v20;
	v19 =	vadd.f32 $1.000000000e+00, v16;
	(erf) = vrcp.f32 v15  }
0x9c: {  	v27 =	vadd.f32 $1.000000000e+00, v27;
	v32 =	vshra.s32 v22, $0x17;
	v22 =	vand.u32 $0x7FFFFF, v22  }
0x9d: {  	v33 =	vadd.s32 $0xFFFFFF81, v33;
	v41 =	vor.u32 $0x3F800000, v21;
	v20 =	vadd.f32 $1.000000000e+00, v39  }
0x9e: {  	v15 =	vadd.f32 $1.000000000e+00, v38;
	v36 =	vshra.s32 v23, $0x17;
	v23 =	vand.u32 $0x7FFFFF, v23  }
0x9f: {  	v32 =	vadd.s32 $0xFFFFFF81, v32;
	v40 =	vor.u32 $0x3F800000, v22;
	(erf) = vrcp.f32 v19  }
0xa0: {  	v19 =	vadd.f32 $1.000000000e+00, v41;
	v22 =	vcvt.s32.f32 v31;
	v35 =	vshra.s32 v27, $0x17  }
0xa1: {  	v27 =	vand.u32 $0x7FFFFF, v27;
	v42 =	vor.u32 $0x3F800000, v23;
	(erf) = vrcp.f32 v20  }
0xa2: {  	v20 =	vadd.f32 $1.000000000e+00, v40;
	v23 =	vcvt.s32.f32 v30;
	v30 =	vcvt.s32.f32 v33  }
0xa3: {  	v31 =	vcvt.s32.f32 v32;
	v43 =	vor.u32 $0x3F800000, v27;
	(erf) = vrcp.f32 v15  }
0xa4: {  	v15 =	vadd.f32 $1.000000000e+00, v42;
	v27 =	vcvt.s32.f32 v29;
	(erf) = vrcp.f32 v19  }
0xa5: {  	v29 =	vcvt.s32.f32 v34;
	v21 =	vadd.s32 $0xFFFFFF81, v35;
	(erf) = vrcp.f32 v20  }
0xa6: {  	v19 =	vadd.f32 $1.000000000e+00, v43;
	v20 =	vadd.s32 $0xFFFFFF81, v36;
	(erf) = vrcp.f32 v15  }
0xa7: {  	v15 =	vsub.f32 v17, v25;
	v17 =	vcvt.s32.f32 v21;
	v25 =	vcvt.s32.f32 v20  }
0xa8: {  	v21 =	vsub.f32 v18, v26;
	v18 =	vmul.f32 $6.931471820e-01, v22;
	v20 =	vmul.f32 $6.931471820e-01, v27  }
0xa9: {  	v16 =	vadd.f32 $-1.000000000e+00, v16;
	v22 =	vmul.f32 $6.931471820e-01, v29;
	(erf) = vrcp.f32 v19  }
0xaa: {  	v51 =	vadd.f32 $-1.000000000e+00, v39;
	v19 =	vmul.f32 $6.931471820e-01, v23;
	v23 =	vmul.f32 $6.931471820e-01, v30;
	v26 =	vpop (erf)  }
0xab: {  	v52 =	vadd.f32 $-1.000000000e+00, v38;
	v27 =	vmul.f32 $6.931471820e-01, v25;
	v32 =	vmul.f32 v26, v49;
	v50 =	vpop (erf)  }
0xac: {  	v53 =	vadd.f32 $-1.000000000e+00, v41;
	v25 =	vmul.f32 $6.931471820e-01, v31;
	v30 =	vmul.f32 $6.931471820e-01, v17;
	v29 =	vpop (erf)  }
0xad: {  	v56 =	vadd.f32 $-1.000000000e+00, v43;
	v16 =	vmul.f32 v50, v16;
	v37 =	vmul.f32 v32, v32;
	v31 =	vpop (erf)  }
0xae: {  	v17 =	vadd.f32 $-1.000000000e+00, v40;
	v34 =	vmul.f32 v29, v51;
	v31 =	vmul.f32 v31, v52  }
0xaf: {  	v26 =	vadd.f32 $-1.000000000e+00, v42;
	v54 =	vpop (erf);
	v36 =	vmul.f32 v16, v16;
	v61 =	vmul.f32 $1.428571490e-01, v37  }
0xb0: {  	v29 =	vsub.f32 v24, v28;
	v55 =	vpop (erf);
	v57 =	vmul.f32 v54, v53;
	v35 =	vmul.f32 v34, v34  }
0xb1: {  	v28 =	vadd.f32 v34, v34;
	v58 =	vpop (erf);
	v17 =	vmul.f32 v55, v17;
	v33 =	vmul.f32 v31, v31  }
0xb2: {  	v31 =	vadd.f32 v31, v31;
	v43 =	vadd.f32 $2.000000030e-01, v61;
	v59 =	vmul.f32 v58, v26;
	v24 =	vpop (erf)  }
0xb3: {  	v26 =	vadd.f32 v16, v16;
	v38 =	vmul.f32 v57, v57;
	v60 =	vmul.f32 v24, v56  }
0xb4: {  	v45 =	vmul.f32 $1.428571490e-01, v35;
	v24 =	vadd.f32 v32, v32;
	v39 =	vmul.f32 v17, v17  }
0xb5: {  	v34 =	vadd.f32 v17, v17;
	v17 =	vmul.f32 $1.428571490e-01, v36;
	v16 =	vmul.f32 v60, v60  }
0xb6: {  	v32 =	vadd.f32 v57, v57;
	v46 =	vmul.f32 $1.428571490e-01, v33;
	v43 =	vmul.f32 v43, v37  }
0xb7: {  	v47 =	vmul.f32 v59, v59;
	v40 =	vadd.f32 v59, v59;
	v44 =	vmul.f32 $1.428571490e-01, v16  }
0xb8: {  	v62 =	vmul.f32 $1.428571490e-01, v38;
	v45 =	vadd.f32 $2.000000030e-01, v45;
	v41 =	vadd.f32 v60, v60  }
0xb9: {  	v49 =	vmul.f32 $1.428571490e-01, v39;
	v48 =	vmul.f32 $1.428571490e-01, v47;
	v44 =	vadd.f32 $2.000000030e-01, v44  }
0xba: {  	v17 =	vadd.f32 $2.000000030e-01, v17;
	v46 =	vadd.f32 $2.000000030e-01, v46;
	v51 =	vmul.f32 v45, v35  }
0xbb: {  	v49 =	vadd.f32 $2.000000030e-01, v49;
	v48 =	vadd.f32 $2.000000030e-01, v48;
	v44 =	vmul.f32 v44, v16  }
0xbc: {  	v42 =	vadd.f32 $2.000000030e-01, v62;
	v17 =	vmul.f32 v17, v36;
	v52 =	vmul.f32 v46, v33  }
0xbd: {  	v49 =	vmul.f32 v49, v39;
	v48 =	vmul.f32 v48, v47;
	v50 =	vadd.f32 $3.333333430e-01, v44  }
0xbe: {  	v46 =	vmul.f32 v42, v38;
	v45 =	vadd.f32 $3.333333430e-01, v17;
	v42 =	vadd.f32 $3.333333430e-01, v52  }
0xbf: {  	v49 =	vadd.f32 $3.333333430e-01, v49;
	v63 =	vadd.f32 $3.333333430e-01, v48;
	v16 =	vmul.f32 v50, v16  }
0xc0: {  	v17 =	vimm.f32 $0.0e+00;
	v44 =	vadd.f32 $3.333333430e-01, v43;
	v43 =	vadd.f32 $3.333333430e-01, v51  }
0xc1: {  	s24 =	simm.s32 $0xED80;
	s23 =	simm.s32 $0x0;
	v47 =	vmul.f32 v63, v47;
	v48 =	vadd.f32 $1.000000000e+00, v16;
	v16 =	vimm.f32 $0.0e+00  }
.LBB2_4:
0xc2: {  	v50 =	vld [tilespmem:s24+$0xFFFFD8F0];
	v46 =	vadd.f32 $3.333333430e-01, v46;
	v36 =	vmul.f32 v45, v36;
	v37 =	vmul.f32 v44, v37  }
0xc3: {  	v44 =	vld [tilespmem:s24+$0x0];
	v41 =	vmul.f32 v48, v41;
	v45 =	vadd.f32 $1.000000000e+00, v47;
	v39 =	vmul.f32 v49, v39  }
0xc4: {  	v35 =	vmul.f32 v43, v35;
	v47 =	vld [tilespmem:s24+$0xFFFFD8E0];
	v38 =	vmul.f32 v46, v38;
	v37 =	vadd.f32 $1.000000000e+00, v37  }
0xc5: {  	s22 =	sadd.s32 $0x80, s22;
	v43 =	vld [tilespmem:s24+$0xFFFFFFF0];
	v30 =	vadd.f32 v41, v30;
	v40 =	vmul.f32 v45, v40;
	v39 =	vadd.f32 $1.000000000e+00, v39  }
0xc6: {  	v33 =	vmul.f32 v42, v33;
	v36 =	vadd.f32 $1.000000000e+00, v36;
	v41 =	vld [tilespmem:s22+$0x30];
	v38 =	vadd.f32 $1.000000000e+00, v38  }
0xc7: {  	v42 =	vld [tilespmem:s24+$0xFFFFD8D0];
	v30 =	vmul.f32 v30, v14;
	v27 =	vadd.f32 v40, v27;
	v34 =	vmul.f32 v39, v34  }
0xc8: {  	v33 =	vadd.f32 $1.000000000e+00, v33;
	v35 =	vadd.f32 $1.000000000e+00, v35;
	v39 =	vld [tilespmem:s24+$0xFFFFFFE0];
	v32 =	vmul.f32 v38, v32  }
0xc9: {  	v38 =	vld [tilespmem:s22+$0x20];
	v7 =	vadd.f32 v30, v7;
	v27 =	vmul.f32 v27, v13;
	v25 =	vadd.f32 v34, v25  }
0xca: {  	v16 =	vadd.f32 v29, v16;
	v14 =	vadd.f32 v14, v17;
	v17 =	vmul.f32 v33, v31;
	v30 =	vld [tilespmem:s24+$0xFFFFD8C0]  }
0xcb: {  	v23 =	vadd.f32 v32, v23;
	v29 =	vld [tilespmem:s24+$0xFFFFFFD0];
	v7 =	vadd.f32 v27, v7;
	v25 =	vmul.f32 v25, v10  }
0xcc: {  	v16 =	vadd.f32 v21, v16;
	v13 =	vadd.f32 v13, v14;
	v14 =	vmul.f32 v35, v28;
	v27 =	vld [tilespmem:s22+$0x10]  }
0xcd: {  	v17 =	vadd.f32 v17, v22;
	v23 =	vmul.f32 v23, v8;
	v21 =	vld [tilespmem:s24+$0xFFFFD8B0];
	v7 =	vadd.f32 v25, v7  }
0xce: {  	v12 =	vadd.f32 v12, v16;
	v10 =	vadd.f32 v10, v13;
	v13 =	vmul.f32 v36, v26;
	v22 =	vld [tilespmem:s24+$0xFFFFFFC0]  }
0xcf: {  	v16 =	vmul.f32 v17, v5;
	v14 =	vadd.f32 v14, v20;
	v25 =	vld [tilespmem:s22+$0x0];
	v7 =	vadd.f32 v23, v7  }
0xd0: {  	v12 =	vadd.f32 v15, v12;
	v8 =	vadd.f32 v8, v10;
	v10 =	vmul.f32 v37, v24;
	v20 =	vld [tilespmem:s24+$0xFFFFD8A0]  }
0xd1: {  	v14 =	vmul.f32 v14, v4;
	v13 =	vadd.f32 v13, v19;
	v15 =	vld [tilespmem:s24+$0xFFFFFFB0];
	v7 =	vadd.f32 v16, v7  }
0xd2: {  	v11 =	vadd.f32 v11, v12;
	v5 =	vadd.f32 v5, v8;
	v8 =	vmul.f32 v1, v3;
	v19 =	vld [tilespmem:s22+$0xFFFFFFF0]  }
0xd3: {  	v13 =	vmul.f32 v13, v2;
	v10 =	vadd.f32 v10, v18;
	v12 =	vld [tilespmem:s24+$0xFFFFD890];
	v7 =	vadd.f32 v14, v7  }
0xd4: {  	v9 =	vadd.f32 v9, v11;
	v4 =	vadd.f32 v4, v5;
	v14 =	vld [tilespmem:s24+$0xFFFFFFA0]  }
0xd5: {  	v10 =	vmul.f32 v10, v1;
	v3 =	vsub.f32 v3, v8;
	v5 =	vld [tilespmem:s22+$0xFFFFFFE0];
	v7 =	vadd.f32 v13, v7  }
0xd6: {  	v6 =	vadd.f32 v6, v9;
	v2 =	vadd.f32 v2, v4;
	v8 =	vld [tilespmem:s24+$0xFFFFD880]  }
0xd7: {  	v9 =	vsub.f32 v50, v44;
	v4 =	vld [tilespmem:s22+$0xFFFFFFD0];
	v7 =	vadd.f32 v10, v7  }
0xd8: {  	v16 =	vadd.f32 v3, v6;
	v17 =	vadd.f32 v1, v2;
	v10 =	vld [tilespmem:s22+$0xFFFFFFC0]  }
0xd9: {  	v11 =	vsub.f32 v47, v43;
	v6 =	vsub.f32 v42, v39;
	v13 =	vcvt.s32.f32 v41;
	v2 =	vld [tilespmem:s24+$0xFFFFFF90]  }
0xda: {  	v24 =	vcvt.s32.f32 v38;
	v18 =	vsub.f32 v30, v29;
	v23 =	vcvt.s32.f32 v27  }
0xdb: {  	v21 =	vsub.f32 v21, v22;
	v22 =	vcvt.s32.f32 v25;
	v19 =	vcvt.s32.f32 v19  }
0xdc: {  	v15 =	vsub.f32 v20, v15;
	v26 =	vcvt.s32.f32 v5;
	v25 =	vcvt.s32.f32 v4  }
0xdd: {  	v1 =	vmul.f32 v13, v13;
	v12 =	vsub.f32 v12, v14;
	v20 =	vcvt.s32.f32 v10  }
0xde: {  	v3 =	vmul.f32 v9, v9;
	v27 =	vsub.f32 v8, v2;
	v2 =	vmul.f32 v24, v24  }
0xdf: {  	v14 =	vmul.f32 v11, v11;
	v4 =	vmul.f32 v23, v23;
	v8 =	vsub.f32 $0.0e+00, v13  }
0xe0: {  	v10 =	vsub.f32 $0.0e+00, v23;
	v23 =	vmul.f32 v6, v6;
	v13 =	vsub.f32 $0.0e+00, v24  }
0xe1: {  	v28 =	vsub.f32 $0.0e+00, v22;
	v5 =	vmul.f32 v22, v22;
	v24 =	vsub.f32 $0.0e+00, v19  }
0xe2: {  	v22 =	vsub.f32 $0.0e+00, v26;
	v11 =	vmul.f32 v13, v11;
	v8 =	vmul.f32 v8, v9  }
0xe3: {  	v6 =	vmul.f32 v10, v6;
	v9 =	vsub.f32 $0.0e+00, v25;
	v13 =	vmul.f32 v28, v18  }
0xe4: {  	v22 =	vmul.f32 v22, v15;
	v10 =	vsub.f32 $0.0e+00, v20;
	v24 =	vmul.f32 v24, v21  }
0xe5: {  	v9 =	vmul.f32 v9, v12;
	v8 =	vmul.f32 $1.442695020e+00, v8  }
0xe6: {  	v10 =	vmul.f32 v10, v27;
	v11 =	vmul.f32 $1.442695020e+00, v11  }
0xe7: {  	v6 =	vmul.f32 $1.442695020e+00, v6;
	(erf) = vpow2.f32 v8  }
0xe8: {  	v8 =	vmul.f32 $1.442695020e+00, v13;
	(erf) = vpow2.f32 v11  }
0xe9: {  	v11 =	vmul.f32 $1.442695020e+00, v24;
	(erf) = vpow2.f32 v6  }
0xea: {  	v6 =	vmul.f32 $1.442695020e+00, v22;
	(erf) = vpow2.f32 v8  }
0xeb: {  	v8 =	vmul.f32 $1.442695020e+00, v9;
	(erf) = vpow2.f32 v11  }
0xec: {  	v9 =	vmul.f32 $1.442695020e+00, v10;
	(erf) = vpow2.f32 v6  }
0xed: {  	v11 =	vmul.f32 v18, v18;
	(erf) = vpow2.f32 v8  }
0xee: {  	v8 =	vmul.f32 v19, v19;
	(erf) = vpow2.f32 v9  }
0xef: {  	v10 =	vmul.f32 v26, v26;
	v18 =	vmul.f32 v21, v21  }
0xf0: {  	s23 =	sadd.s32 $0x8, s23;
	v15 =	vmul.f32 v15, v15;
	v6 =	vmul.f32 v2, v14;
	v19 =	vpop (erf)  }
0xf1: {  	p0 =	slt.u32 s23, $0x268;
	v29 =	vmul.f32 v4, v23;
	v9 =	vmul.f32 v5, v11;
	v22 =	vpop (erf)  }
0xf2: {  	v24 =	vmul.f32 v10, v15;
	v6 =	vsub.f32 v14, v6;
	v26 =	vmul.f32 v8, v18;
	v28 =	vpop (erf)  }
0xf3: {  	v13 =	vmul.f32 v25, v25;
	v11 =	vsub.f32 v11, v9;
	v9 =	vsub.f32 v23, v29;
	v21 =	vpop (erf)  }
0xf4: {  	v23 =	vmul.f32 v12, v12;
	v12 =	vsub.f32 v15, v24;
	v15 =	vsub.f32 v18, v26;
	v18 =	vpop (erf)  }
0xf5: {  	v14 =	vmul.f32 v20, v20;
	v19 =	vadd.f32 $1.000000000e+00, v19;
	v20 =	vadd.f32 $1.000000000e+00, v22;
	v22 =	vpop (erf)  }
0xf6: {  	v24 =	vmul.f32 v27, v27;
	v25 =	vadd.f32 $1.000000000e+00, v28;
	v21 =	vadd.f32 $1.000000000e+00, v21;
	v26 =	vpop (erf)  }
0xf7: {  	v27 =	vmul.f32 v13, v23;
	v18 =	vadd.f32 $1.000000000e+00, v18;
	v22 =	vadd.f32 $1.000000000e+00, v22;
	v28 =	vpop (erf)  }
0xf8: {  	v29 =	vmul.f32 v14, v24;
	v26 =	vadd.f32 $1.000000000e+00, v26;
	v28 =	vadd.f32 $1.000000000e+00, v28  }
0xf9: {  	v32 =	vshra.s32 v19, $0x17;
	v31 =	vshra.s32 v20, $0x17;
	v30 =	vshra.s32 v25, $0x17  }
0xfa: {  	v35 =	vshra.s32 v21, $0x17;
	v34 =	vshra.s32 v18, $0x17;
	v33 =	vshra.s32 v22, $0x17  }
0xfb: {  	v19 =	vand.u32 $0x7FFFFF, v19;
	v37 =	vshra.s32 v26, $0x17;
	v36 =	vshra.s32 v28, $0x17  }
0xfc: {  	v20 =	vand.u32 $0x7FFFFF, v20;
	v25 =	vand.u32 $0x7FFFFF, v25;
	v21 =	vand.u32 $0x7FFFFF, v21  }
0xfd: {  	v18 =	vand.u32 $0x7FFFFF, v18;
	v22 =	vand.u32 $0x7FFFFF, v22;
	v26 =	vand.u32 $0x7FFFFF, v26  }
0xfe: {  	v32 =	vadd.s32 $0xFFFFFF81, v32;
	v31 =	vadd.s32 $0xFFFFFF81, v31;
	v28 =	vand.u32 $0x7FFFFF, v28  }
0xff: {  	v30 =	vadd.s32 $0xFFFFFF81, v30;
	v35 =	vadd.s32 $0xFFFFFF81, v35;
	v34 =	vadd.s32 $0xFFFFFF81, v34  }
0x100: {  	v19 =	vor.u32 $0x3F800000, v19;
	v20 =	vor.u32 $0x3F800000, v20;
	v33 =	vadd.s32 $0xFFFFFF81, v33  }
0x101: {  	v25 =	vor.u32 $0x3F800000, v25;
	v38 =	vor.u32 $0x3F800000, v21;
	v21 =	vadd.f32 $1.000000000e+00, v19  }
0x102: {  	v40 =	vor.u32 $0x3F800000, v18;
	v18 =	vadd.f32 $1.000000000e+00, v20;
	v39 =	vor.u32 $0x3F800000, v22  }
0x103: {  	v22 =	vadd.f32 $1.000000000e+00, v25;
	v26 =	vor.u32 $0x3F800000, v26;
	(erf) = vrcp.f32 v21  }
0x104: {  	v28 =	vor.u32 $0x3F800000, v28;
	v21 =	vadd.f32 $1.000000000e+00, v38;
	(erf) = vrcp.f32 v18  }
0x105: {  	v32 =	vcvt.s32.f32 v32;
	v18 =	vadd.f32 $1.000000000e+00, v40;
	(erf) = vrcp.f32 v22  }
0x106: {  	v31 =	vcvt.s32.f32 v31;
	v22 =	vadd.f32 $1.000000000e+00, v39;
	(erf) = vrcp.f32 v21  }
0x107: {  	v30 =	vcvt.s32.f32 v30;
	v21 =	vadd.f32 $1.000000000e+00, v26;
	(erf) = vrcp.f32 v18  }
0x108: {  	v35 =	vcvt.s32.f32 v35;
	v18 =	vadd.f32 $1.000000000e+00, v28;
	(erf) = vrcp.f32 v22  }
0x109: {  	v34 =	vcvt.s32.f32 v34;
	v22 =	vadd.s32 $0xFFFFFF81, v37;
	(erf) = vrcp.f32 v21  }
0x10a: {  	v33 =	vcvt.s32.f32 v33;
	v21 =	vadd.s32 $0xFFFFFF81, v36;
	(erf) = vrcp.f32 v18  }
0x10b: {  	v37 =	vcvt.s32.f32 v22;
	v36 =	vcvt.s32.f32 v21;
	v21 =	vsub.f32 v23, v27  }
0x10c: {  	v42 =	vadd.f32 $-1.000000000e+00, v19;
	v41 =	vadd.f32 $-1.000000000e+00, v20;
	v18 =	vmul.f32 $6.931471820e-01, v32;
	v32 =	vpop (erf)  }
0x10d: {  	v43 =	vadd.f32 $-1.000000000e+00, v25;
	v19 =	vmul.f32 $6.931471820e-01, v31;
	v20 =	vmul.f32 $6.931471820e-01, v30;
	v31 =	vpop (erf)  }
0x10e: {  	v22 =	vmul.f32 $6.931471820e-01, v35;
	v23 =	vmul.f32 $6.931471820e-01, v34;
	v34 =	vadd.f32 $-1.000000000e+00, v38;
	v35 =	vpop (erf)  }
0x10f: {  	v44 =	vadd.f32 $-1.000000000e+00, v40;
	v25 =	vmul.f32 $6.931471820e-01, v33;
	v27 =	vmul.f32 $6.931471820e-01, v37;
	v37 =	vpop (erf)  }
0x110: {  	v30 =	vmul.f32 $6.931471820e-01, v36;
	v36 =	vadd.f32 $-1.000000000e+00, v39;
	v32 =	vmul.f32 v32, v42;
	v38 =	vpop (erf)  }
0x111: {  	v26 =	vadd.f32 $-1.000000000e+00, v26;
	v31 =	vmul.f32 v31, v41;
	v35 =	vmul.f32 v35, v43;
	v39 =	vpop (erf)  }
0x112: {  	v28 =	vadd.f32 $-1.000000000e+00, v28;
	v34 =	vmul.f32 v37, v34;
	v40 =	vmul.f32 v38, v44;
	v33 =	vpop (erf)  }
0x113: {  	v29 =	vsub.f32 v24, v29;
	v42 =	vmul.f32 v39, v36;
	v41 =	vmul.f32 v33, v26;
	v24 =	vpop (erf)  }
0x114: {  	v26 =	vadd.f32 v31, v31;
	v43 =	vmul.f32 v24, v28;
	v24 =	vadd.f32 v32, v32  }
0x115: {  	v37 =	vmul.f32 v32, v32;
	v36 =	vmul.f32 v31, v31;
	v28 =	vadd.f32 v35, v35  }
0x116: {  	v33 =	vmul.f32 v34, v34;
	v31 =	vadd.f32 v34, v34;
	v35 =	vmul.f32 v35, v35  }
0x117: {  	v38 =	vmul.f32 v40, v40;
	v39 =	vmul.f32 v42, v42;
	v32 =	vadd.f32 v40, v40  }
0x118: {  	v34 =	vadd.f32 v42, v42;
	v47 =	vmul.f32 v41, v41;
	v45 =	vmul.f32 v43, v43  }
0x119: {  	v44 =	vmul.f32 $1.428571490e-01, v37;
	v42 =	vmul.f32 $1.428571490e-01, v36;
	v40 =	vadd.f32 v41, v41  }
0x11a: {  	v41 =	vadd.f32 v43, v43;
	v46 =	vmul.f32 $1.428571490e-01, v35;
	v43 =	vmul.f32 $1.428571490e-01, v45  }
0x11b: {  	v44 =	vadd.f32 $2.000000030e-01, v44;
	v48 =	vmul.f32 $1.428571490e-01, v38;
	v49 =	vmul.f32 $1.428571490e-01, v33  }
0x11c: {  	v42 =	vadd.f32 $2.000000030e-01, v42;
	v50 =	vmul.f32 $1.428571490e-01, v47;
	v43 =	vadd.f32 $2.000000030e-01, v43  }
0x11d: {  	v51 =	vmul.f32 $1.428571490e-01, v39;
	v49 =	vadd.f32 $2.000000030e-01, v49;
	v46 =	vadd.f32 $2.000000030e-01, v46  }
0x11e: {  	v48 =	vadd.f32 $2.000000030e-01, v48;
	v50 =	vadd.f32 $2.000000030e-01, v50;
	v43 =	vmul.f32 v43, v45  }
0x11f: {  	v44 =	vmul.f32 v44, v37;
	v51 =	vadd.f32 $2.000000030e-01, v51;
	v42 =	vmul.f32 v42, v36  }
.Ltmp1:
0x120: {  	v52 =	vmul.f32 v46, v35;
	v50 =	vmul.f32 v50, v47;
	v43 =	vadd.f32 $3.333333430e-01, v43;
	(pc) =	sbr.rel @p0 .LBB2_4-.Ltmp1, $4  }
0x121: {  	v44 =	vadd.f32 $3.333333430e-01, v44;
	v49 =	vmul.f32 v49, v33;
	v51 =	vmul.f32 v51, v39  }
0x122: {  	v50 =	vadd.f32 $3.333333430e-01, v50;
	v53 =	vmul.f32 v43, v45;
	v45 =	vadd.f32 $3.333333430e-01, v42  }
0x123: {  	v46 =	vmul.f32 v48, v38;
	v42 =	vadd.f32 $3.333333430e-01, v49;
	v43 =	vadd.f32 $3.333333430e-01, v52  }
0x124: {  	s24 =	sadd.s32 $0x80, s24;
	v47 =	vmul.f32 v50, v47;
	v49 =	vadd.f32 $3.333333430e-01, v51;
	v48 =	vadd.f32 $1.000000000e+00, v53  }
0x125: {  	v50 =	vld [tilespmem:$0xC500]  }
0x126: {  	v51 =	vld [tilespmem:$0xEC80]  }
0x127: {  	v52 =	vld [tilespmem:$0x11390];
	_ =	sdelay $0x2  }
0x128: {  	v50 =	vcvt.s32.f32 v50;
	_ =	sdelay $0x1  }
0x129: {  	v51 =	vsub.f32 v51, v52;
	v57 =	vsub.f32 $0.0e+00, v50;
	_ =	sdelay $0x1  }
0x12a: {  	v52 =	vmul.f32 v57, v51;
	_ =	sdelay $0x1  }
0x12b: {  	v52 =	vmul.f32 $1.442695020e+00, v52;
	_ =	sdelay $0x1  }
0x12c: {  	(erf) = vpow2.f32 v52;
	_ =	sdelay $0x8  }
0x12d: {  	v52 =	vpop (erf)  }
0x12e: {  	v52 =	vadd.f32 $1.000000000e+00, v52;
	_ =	sdelay $0x1  }
0x12f: {  	v53 =	vand.u32 $0x7FFFFF, v52  }
0x130: {  	v53 =	vor.u32 $0x3F800000, v53  }
0x131: {  	v54 =	vadd.f32 $1.000000000e+00, v53;
	_ =	sdelay $0x1  }
0x132: {  	(erf) = vrcp.f32 v54;
	_ =	sdelay $0x1  }
0x133: {  	v36 =	vmul.f32 v45, v36;
	v37 =	vmul.f32 v44, v37;
	v58 =	vadd.f32 $3.333333430e-01, v46  }
0x134: {  	v35 =	vmul.f32 v43, v35;
	v33 =	vmul.f32 v42, v33;
	v16 =	vadd.f32 v29, v16  }
0x135: {  	v62 =	vadd.f32 v14, v17;
	v41 =	vmul.f32 v48, v41;
	v59 =	vadd.f32 $1.000000000e+00, v47  }
0x136: {  	v39 =	vmul.f32 v49, v39;
	v37 =	vadd.f32 $1.000000000e+00, v37;
	v36 =	vadd.f32 $1.000000000e+00, v36  }
0x137: {  	v38 =	vmul.f32 v58, v38;
	v33 =	vadd.f32 $1.000000000e+00, v33;
	v35 =	vadd.f32 $1.000000000e+00, v35  }
0x138: {  	v16 =	vadd.f32 v21, v16;
	v30 =	vadd.f32 v41, v30;
	v40 =	vmul.f32 v59, v40  }
0x139: {  	v38 =	vadd.f32 $1.000000000e+00, v38;
	v42 =	vmul.f32 v35, v28;
	v60 =	vadd.f32 $-1.000000000e+00, v53  }
0x13a: {  	v39 =	vadd.f32 $1.000000000e+00, v39;
	v44 =	vmul.f32 v36, v26;
	v48 =	vmul.f32 v37, v24;
	v61 =	vpop (erf)  }
0x13b: {  	v12 =	vadd.f32 v12, v16;
	v32 =	vmul.f32 v38, v32;
	v38 =	vmul.f32 v61, v60  }
0x13c: {  	v30 =	vmul.f32 v30, v14;
	v27 =	vadd.f32 v40, v27;
	v34 =	vmul.f32 v39, v34  }
0x13d: {  	v40 =	vadd.f32 v13, v62;
	v20 =	vadd.f32 v42, v20;
	v63 =	vmul.f32 v38, v38  }
0x13e: {  	v12 =	vadd.f32 v15, v12;
	v7 =	vadd.f32 v30, v7;
	v27 =	vmul.f32 v27, v13  }
0x13f: {  	v25 =	vadd.f32 v34, v25;
	v34 =	vmul.f32 v33, v31;
	v39 =	vmul.f32 $1.428571490e-01, v63  }
0x140: {  	v43 =	vadd.f32 v10, v40;
	v13 =	vadd.f32 v44, v19;
	v58 =	vmul.f32 v50, v50  }
0x141: {  	v59 =	vmul.f32 v51, v51;
	v23 =	vadd.f32 v32, v23;
	v21 =	vadd.f32 $2.000000030e-01, v39  }
0x142: {  	v49 =	vmul.f32 v20, v4;
	v7 =	vadd.f32 v27, v7;
	v25 =	vmul.f32 v25, v10  }
0x143: {  	v11 =	vadd.f32 v11, v12;
	v22 =	vadd.f32 v34, v22;
	v45 =	vmul.f32 v21, v63  }
0x144: {  	v47 =	vadd.f32 v8, v43;
	v41 =	vmul.f32 v23, v8;
	v7 =	vadd.f32 v25, v7  }
0x145: {  	v13 =	vmul.f32 v13, v2;
	v10 =	vadd.f32 v48, v18;
	v14 =	vadd.f32 $3.333333430e-01, v45  }
0x146: {  	v46 =	vmul.f32 v22, v5;
	v7 =	vadd.f32 v41, v7;
	v53 =	vadd.f32 v5, v47  }
0x147: {  	v9 =	vadd.f32 v9, v11;
	v52 =	vshra.s32 v52, $0x17;
	v14 =	vmul.f32 v14, v63  }
0x148: {  	v7 =	vadd.f32 v46, v7;
	v12 =	vadd.s32 $0xFFFFFF81, v52;
	v57 =	vadd.f32 v4, v53  }
0x149: {  	v12 =	vcvt.s32.f32 v12;
	v55 =	vadd.f32 v38, v38;
	v14 =	vadd.f32 $1.000000000e+00, v14  }
0x14a: {  	v6 =	vadd.f32 v6, v9;
	v7 =	vadd.f32 v49, v7;
	v54 =	vmul.f32 v1, v3  }
0x14b: {  	v12 =	vmul.f32 $6.931471820e-01, v12;
	v2 =	vadd.f32 v2, v57;
	v56 =	vmul.f32 v14, v55  }
0x14c: {  	v7 =	vadd.f32 v13, v7;
	v3 =	vsub.f32 v3, v54;
	v60 =	vmul.f32 v58, v59  }
0x14d: {  	v10 =	vmul.f32 v10, v1;
	v1 =	vadd.f32 v1, v2;
	v11 =	vadd.f32 v56, v12  }
0x14e: {  	v3 =	vadd.f32 v3, v6;
	v63 =	vsub.f32 v59, v60  }
0x14f: {  	v1 =	vadd.f32 v58, v1;
	v61 =	vadd.f32 v10, v7;
	v62 =	vmul.f32 v11, v58  }
0x150: {  	v3 =	vadd.f32 v63, v3  }
0x151: {  	s21 =	sadd.s32 $0x1, s21;
	[tilespmem:$0x11420] =	vst v1;
	v2 =	vadd.f32 v62, v61  }
0x152: {  	p0 =	sne.s32 s21, s11;
	[tilespmem:$0x11410] =	vst v3  }
.Ltmp2:
0x153: {  	[tilespmem:$0x11400] =	vst v2;
	(pc) =	sbr.rel @p0 .LBB2_1-.Ltmp2, $4  }
0x154: {  	[hbm4b:s10+s3] =	stream.linear.scatter [tilespmem:s19], [sflag:$0x3], $0x80, $0x38;
	[tilespmem:$0x11480] =	vst v63  }
0x155: {  	_ =	swait.ge [sflag:s20], $0x80  }
0x156: {  	[sflag:s20] =	ssyncset.done $0x0  }
0x157: {  	[sflag:s20] =	ssyncadd.s32 $0xFFFFFF80  }
0x158: {  	_ =	sfence.sel $0x180000  }
0x159: {  	[bflag:$0x0] =	sbarrier.arrive $0xFFFF  }
0x15a: {  	p0 =	sne.s32 s1, $0x0;
	_ =	strace $0x90000047  }
0x15b: {  	s0 =	sadd.s32 @!p0 $0x100000, s0;
	[bflag:$0x2] =	sbarrier.arrive $0xFFFF  }
0x15c: {  	[sflag:s0] =	ssyncadd.tile.s32 @!p0 $0x1;
	_ =	shalt  }
.Lfunc_end2:
_tile_overlayer_lowered:
.L_overlay_start_2:
0x15d: {  	(tag) =	ssettag $0x2  }
0x15e: {  	s0 =	rddreg [dreg:$0x0];
	s2 =	stileid.u32  }
0x15f: {  	s1 =	rddreg [dreg:$0x1];
	p0 =	sne.s32 s2, $0x0  }
0x160: {  	s3 =	rddreg [dreg:$0x2];
	[bflag:$0x3] =	sbarrier.arrive $0xFFFF;
	s2 =	simm.s32 @!p0 $0x1C03  }
0x161: {  	[timem:s3], [sflag:s2] =	dma.local @!p0 [hbm:s0], s1  }
0x162: {  	s0 =	simm.s32 @!p0 $0x3  }
0x163: {  	_ =	swait.ge @!p0 [sflag:s0], s1  }
0x164: {  	s1 =	ssub.s32 @!p0 $0x0, s1;
	[sflag:s0] =	ssyncset.done @!p0 $0x0  }
0x165: {  	[sflag:s0] =	ssyncadd.s32 @!p0 s1  }
0x166: {  	[bflag:$0x3] =	sbarrier.arrive $0xFFFF  }
0x167: {  	_ =	shalt  }

</sc_bundles>
